<compile_context>
chip_gen: v7x
topology: tpu7x:2x2x1
jax: 0.10.2.dev20260603
libtpu: 0.0.44.dev20260713+nightly
codegen_flags: <defaults>
</compile_context>

<pallas_src>
import functools

import jax
import jax.numpy as jnp
from jax import lax
from jax.experimental import pallas as pl
from jax.experimental.pallas import tpu as pltpu
from jax.experimental.pallas import tpu_sc as plsc

B, C, H, W = 4, 96, 384, 384
NC, NS = 2, 16
NW = NC * NS
YSTRIP = H // (NW // B)
RT = 8
CC = 4
NJ = W // 16


def _sc_warp_body(image_hbm, flow_hbm, out_hbm, flow_v, w4_v, img_v, out_v):
    wid = lax.axis_index("s") * NC + lax.axis_index("c")
    b = wid // (NW // B)
    y0 = (wid % (NW // B)) * YSTRIP

    lane = lax.iota(jnp.int32, 16)
    lanef = lane.astype(jnp.float32)
    gidx0 = jnp.maximum(lane - 1, 0)
    sy = (H - 1) / 2.0
    sx = (W - 1) / 2.0

    def subchunk(t, _):
        ys = y0 + t * RT
        pltpu.sync_copy(flow_hbm.at[b, :, pl.ds(ys, RT)], flow_v)

        def wrow(r, _):
            yf = (ys + r).astype(jnp.float32)

            def wchunk(j, _):
                o = j * 16
                xf = o.astype(jnp.float32) + lanef
                f0 = flow_v[0, r, pl.ds(o, 16)]
                f1 = flow_v[1, r, pl.ds(o, 16)]
                gy = (((yf - f0) / sy - 1.0) + 1.0) * sy
                gx = (((xf - f1) / sx - 1.0) + 1.0) * sx
                gy = jnp.clip(gy, 0.0, H - 1.0)
                gx = jnp.clip(gx, 0.0, W - 1.0)
                bta = jnp.clip(gy - yf + 1.0, 0.0, 1.0)
                alf = jnp.clip(gx - xf + 1.0, 0.0, 1.0)
                w4_v[0, r, pl.ds(o, 16)] = (1.0 - alf) * (1.0 - bta)
                w4_v[1, r, pl.ds(o, 16)] = alf * (1.0 - bta)
                w4_v[2, r, pl.ds(o, 16)] = (1.0 - alf) * bta
                w4_v[3, r, pl.ds(o, 16)] = alf * bta
                return 0

            return lax.fori_loop(0, NJ, wchunk, 0)

        lax.fori_loop(0, RT, wrow, 0)

        yn = jnp.maximum(ys - 1, 0)

        def cgroup(cg, _):
            c0 = cg * CC
            pltpu.sync_copy(image_hbm.at[b, pl.ds(c0, CC), pl.ds(ys, RT)],
                            img_v.at[:, pl.ds(1, RT)])
            pltpu.sync_copy(image_hbm.at[b, pl.ds(c0, CC), pl.ds(yn, 1)],
                            img_v.at[:, pl.ds(0, 1)])
            for cl in range(CC):
                def crow(r, _):
                    rsp = jnp.full((16,), r, jnp.int32)
                    aw = plsc.load_gather(
                        img_v, [jnp.full((16,), cl, jnp.int32), rsp, gidx0])
                    bw = plsc.load_gather(
                        img_v, [jnp.full((16,), cl, jnp.int32), rsp + 1, gidx0])
                    av = img_v[cl, r, pl.ds(0, 16)]
                    bv = img_v[cl, r + 1, pl.ds(0, 16)]
                    out_v[cl, r, pl.ds(0, 16)] = (
                        (w4_v[0, r, pl.ds(0, 16)] * aw
                         + w4_v[1, r, pl.ds(0, 16)] * av)
                        + (w4_v[2, r, pl.ds(0, 16)] * bw
                           + w4_v[3, r, pl.ds(0, 16)] * bv))

                    def cchunk(j, _):
                        o = j * 16
                        aw = img_v[cl, r, pl.ds(o - 1, 16)]
                        bw = img_v[cl, r + 1, pl.ds(o - 1, 16)]
                        av = img_v[cl, r, pl.ds(o, 16)]
                        bv = img_v[cl, r + 1, pl.ds(o, 16)]
                        out_v[cl, r, pl.ds(o, 16)] = (
                            (w4_v[0, r, pl.ds(o, 16)] * aw
                             + w4_v[1, r, pl.ds(o, 16)] * av)
                            + (w4_v[2, r, pl.ds(o, 16)] * bw
                               + w4_v[3, r, pl.ds(o, 16)] * bv))
                        return 0

                    lax.fori_loop(1, NJ, cchunk, 0)
                    return 0

                lax.fori_loop(0, RT, crow, 0)
            pltpu.sync_copy(out_v,
                            out_hbm.at[b, pl.ds(c0, CC), pl.ds(ys, RT)])
            return 0

        lax.fori_loop(0, C // CC, cgroup, 0)
        return 0

    lax.fori_loop(0, YSTRIP // RT, subchunk, 0)


def kernel(image, flow):
    mesh = plsc.VectorSubcoreMesh(
        core_axis_name="c", subcore_axis_name="s",
        num_cores=NC, num_subcores=NS)
    k = functools.partial(
        pl.kernel,
        out_type=jax.ShapeDtypeStruct((B, C, H, W), jnp.float32),
        mesh=mesh,
        scratch_types=[
            pltpu.VMEM((2, RT, W), jnp.float32),
            pltpu.VMEM((4, RT, W), jnp.float32),
            pltpu.VMEM((CC, RT + 1, W), jnp.float32),
            pltpu.VMEM((CC, RT, W), jnp.float32),
        ],
        compiler_params=pltpu.CompilerParams(
            use_tc_tiling_on_sc=False, needs_layout_passes=False),
    )(_sc_warp_body)
    return k(image, flow)

# --- scband reference (transcript-rebuilt; emitter-appended) ---
"""Pipeline reference for scband-dense-image-warp-30812095382185 (READ-ONLY COPY).

The authoritative reference and input builder live on the scoring server;
editing this copy changes nothing except your own understanding.
"""

import jax, jax.numpy as jnp
import numpy as np


def _dense_image_warp(image, flow):
    b, c, h, w = image.shape
    lin_h = jnp.broadcast_to(jnp.linspace(0.0, h - 1.0, h)[:, None], (h, w))
    lin_w = jnp.broadcast_to(jnp.linspace(0.0, w - 1.0, w)[None, :], (h, w))
    lin = jnp.stack([lin_h, lin_w], axis=0)[None, ...]
    scale = jnp.array([(h - 1) / 2.0, (w - 1) / 2.0], dtype=jnp.float32)[None, None, None, :]
    grid = lin - flow
    grid = jnp.transpose(grid, (0, 2, 3, 1))
    grid = grid / scale - 1.0
    grid = jnp.roll(grid, shift=1, axis=-1)
    # grid_sample(mode='bilinear', padding_mode='border', align_corners=True)
    gx = (grid[..., 0] + 1.0) * (w - 1) / 2.0
    gy = (grid[..., 1] + 1.0) * (h - 1) / 2.0
    # border padding: clamp unnormalized coords
    gx = jnp.clip(gx, 0.0, w - 1.0)
    gy = jnp.clip(gy, 0.0, h - 1.0)
    x0f = jnp.floor(gx)
    y0f = jnp.floor(gy)
    wx = gx - x0f
    wy = gy - y0f
    x0 = jnp.clip(x0f.astype(jnp.int32), 0, w - 1)
    x1 = jnp.clip((x0f + 1.0).astype(jnp.int32), 0, w - 1)
    y0 = jnp.clip(y0f.astype(jnp.int32), 0, h - 1)
    y1 = jnp.clip((y0f + 1.0).astype(jnp.int32), 0, h - 1)
    img = jnp.transpose(image, (0, 2, 3, 1))  # (b,h,w,c)
    bidx = jnp.arange(b)[:, None, None]
    Ia = img[bidx, y0, x0]
    Ib = img[bidx, y0, x1]
    Ic = img[bidx, y1, x0]
    Id = img[bidx, y1, x1]
    wa = ((1.0 - wx) * (1.0 - wy))[..., None]
    wb = (wx * (1.0 - wy))[..., None]
    wc = ((1.0 - wx) * wy)[..., None]
    wd = (wx * wy)[..., None]
    out = wa * Ia + wb * Ib + wc * Ic + wd * Id
    return jnp.transpose(out, (0, 3, 1, 2))


def setup_inputs(seed: int = 0) -> dict:
    key = jax.random.key(seed)
    k1, k2 = jax.random.split(key)
    image = jax.random.uniform(k1, (4, 96, 384, 384), dtype=jnp.float32)
    flow = jax.random.uniform(k2, (4, 2, 384, 384), dtype=jnp.float32)
    return {"image": image, "flow": flow}


def reference(image, flow):
    return _dense_image_warp(image, flow)

if __name__ == "__main__":
    import jax
    _d = setup_inputs()
    print(jax.jit(kernel)(*tuple(_d.values())))

</pallas_src>

<mosaic_0001>
#map = affine_map<(d0, d1) -> (0, 0, 0, 0)>
module attributes {stable_mosaic.version = 14 : i64} {
  func.func @_sc_warp_body(%arg0: i32, %arg1: i32, %arg2: memref<4x96x384x384xf32, #tpu.memory_space<hbm>>, %arg3: memref<4x2x384x384xf32, #tpu.memory_space<hbm>>, %arg4: memref<4x96x384x384xf32, #tpu.memory_space<hbm>>, %arg5: memref<2x8x384xf32, #tpu.memory_space<vmem>>, %arg6: memref<4x8x384xf32, #tpu.memory_space<vmem>>, %arg7: memref<4x9x384xf32, #tpu.memory_space<vmem>>, %arg8: memref<4x8x384xf32, #tpu.memory_space<vmem>>) attributes {dimension_semantics = [#tpu.dimension_semantics<core_parallel>, #tpu.dimension_semantics<subcore_parallel>], iteration_bounds = array<i64: 2, 16>, scalar_prefetch = 0 : i64, scratch_operands = 4 : i64, tpu.core_type = #tpu.core_type<sc_vector_subcore>, window_params = [{transform_indices = #map}, {transform_indices = #map}, {transform_indices = #map}]} {
    %mul3A = arith.constant 2 : i32
    %mul3A_0 = arith.muli %arg1, %mul3A : i32
    %add3A = arith.addi %mul3A_0, %arg0 : i32
    %jit3A = arith.constant 8 : i32
    %div3A = arith.divsi %add3A, %jit3A : i32
    %sign3A = arith.constant 0 : i32
    %sign3A_1 = arith.cmpi sgt, %add3A, %sign3A : i32
    %sign3A_2 = arith.extui %sign3A_1 : i1 to i32
    %sign3A_3 = arith.constant 0 : i32
    %sign3A_4 = arith.cmpi slt, %add3A, %sign3A_3 : i32
    %sign3A_5 = arith.extui %sign3A_4 : i1 to i32
    %sign3A_6 = arith.subi %sign3A_2, %sign3A_5 : i32
    %sign3A_7 = arith.constant 0 : i32
    %sign3A_8 = arith.cmpi sgt, %jit3A, %sign3A_7 : i32
    %sign3A_9 = arith.extui %sign3A_8 : i1 to i32
    %sign3A_10 = arith.constant 0 : i32
    %sign3A_11 = arith.cmpi slt, %jit3A, %sign3A_10 : i32
    %sign3A_12 = arith.extui %sign3A_11 : i1 to i32
    %sign3A_13 = arith.subi %sign3A_9, %sign3A_12 : i32
    %ne3A = arith.cmpi ne, %sign3A_6, %sign3A_13 : i32
    %rem3A = arith.remsi %add3A, %jit3A : i32
    %ne3A_14 = arith.constant 0 : i32
    %ne3A_15 = arith.cmpi ne, %rem3A, %ne3A_14 : i32
    %and3A = arith.andi %ne3A, %ne3A_15 : i1
    %sub3A = arith.constant 1 : i32
    %sub3A_16 = arith.subi %div3A, %sub3A : i32
    %select_n3A = arith.select %and3A, %sub3A_16, %div3A : i32
    %jit3A_17 = arith.constant 8 : i32
    %eq3A = arith.constant 0 : i32
    %eq3A_18 = arith.cmpi eq, %jit3A_17, %eq3A : i32
    %jit3A_19 = arith.constant 1 : i32
    %select_n3A_20 = arith.select %eq3A_18, %jit3A_19, %jit3A_17 : i32
    %rem3A_21 = arith.remsi %add3A, %select_n3A_20 : i32
    %ne3A_22 = arith.constant 0 : i32
    %ne3A_23 = arith.cmpi ne, %rem3A_21, %ne3A_22 : i32
    %lt3A = arith.constant 0 : i32
    %lt3A_24 = arith.cmpi slt, %rem3A_21, %lt3A : i32
    %lt3A_25 = arith.constant 0 : i32
    %lt3A_26 = arith.cmpi slt, %select_n3A_20, %lt3A_25 : i32
    %ne3A_27 = arith.xori %lt3A_24, %lt3A_26 : i1
    %and3A_28 = arith.andi %ne3A_27, %ne3A_23 : i1
    %add3A_29 = arith.addi %rem3A_21, %select_n3A_20 : i32
    %select_n3A_30 = arith.select %and3A_28, %add3A_29, %rem3A_21 : i32
    %mul3A_31 = arith.constant 48 : i32
    %mul3A_32 = arith.muli %select_n3A_30, %mul3A_31 : i32
    %iota3A = tpu.iota {dimensions = array<i32: 0>} : vector<16xi32>
    %convert_element_type3A = arith.sitofp %iota3A : vector<16xi32> to vector<16xf32>
    %sub3A_33 = arith.constant 1 : i32
    %sub3A_34 = vector.broadcast %sub3A_33 : i32 to vector<16xi32>
    %sub3A_35 = arith.subi %iota3A, %sub3A_34 : vector<16xi32>
    %max3A = arith.constant 0 : i32
    %max3A_36 = vector.broadcast %max3A : i32 to vector<16xi32>
    %max3A_37 = arith.maxsi %sub3A_35, %max3A_36 : vector<16xi32>
    %scan3A = arith.constant 0 : i32
    %scan3A_38 = arith.constant 0 : i32
    %scan3A_39 = arith.constant 6 : i32
    %scan3A_40 = arith.addi %scan3A_38, %scan3A_39 : i32
    %scan3A_41 = arith.constant 1 : i32
    %scan3A_42 = scf.for %scan3A_44 = %scan3A_38 to %scan3A_40 step %scan3A_41 iter_args(%scan3A_45 = %scan3A) -> (i32)  : i32 {
      %mul3A_46 = arith.constant 8 : i32
      %mul3A_47 = arith.muli %scan3A_44, %mul3A_46 : i32
      %add3A_48 = arith.addi %mul3A_32, %mul3A_47 : i32
      "tpu.region"() ({
        %run_scoped3A = tpu.sem_alloc : memref<!tpu.dma_semaphore, #tpu.memory_space<semaphore_mem>>
        %dma_start3A = arith.constant 0 : i32
        %dma_start3A_68 = arith.constant 0 : i32
        %dma_start3A_69 = tpu.memref_slice %arg3[%select_n3A, %dma_start3A, %add3A_48, %dma_start3A_68] : memref<4x2x384x384xf32, #tpu.memory_space<hbm>> -> memref<1x2x8x384xf32, #tpu.memory_space<hbm>>
        %dma_start3A_70 = tpu.memref_squeeze %dma_start3A_69 : memref<1x2x8x384xf32, #tpu.memory_space<hbm>> -> memref<2x8x384xf32, #tpu.memory_space<hbm>>
        %dma_start3A_71 = arith.constant 0 : i32
        %dma_start3A_72 = arith.constant 0 : i32
        %dma_start3A_73 = tpu.memref_slice %arg3[%select_n3A, %dma_start3A_71, %add3A_48, %dma_start3A_72] : memref<4x2x384x384xf32, #tpu.memory_space<hbm>> -> memref<1x2x8x384xf32, #tpu.memory_space<hbm>>
        %dma_start3A_74 = tpu.memref_squeeze %dma_start3A_73 : memref<1x2x8x384xf32, #tpu.memory_space<hbm>> -> memref<2x8x384xf32, #tpu.memory_space<hbm>>
        tpu.enqueue_dma source(%dma_start3A_74 : memref<2x8x384xf32, #tpu.memory_space<hbm>>) target(%arg5 : memref<2x8x384xf32, #tpu.memory_space<vmem>>) target_semaphore(%run_scoped3A : memref<!tpu.dma_semaphore, #tpu.memory_space<semaphore_mem>>)
        %dma_wait3A = arith.constant 0 : i32
        %dma_wait3A_75 = arith.constant 0 : i32
        %dma_wait3A_76 = tpu.memref_slice %arg3[%select_n3A, %dma_wait3A, %add3A_48, %dma_wait3A_75] : memref<4x2x384x384xf32, #tpu.memory_space<hbm>> -> memref<1x2x8x384xf32, #tpu.memory_space<hbm>>
        %dma_wait3A_77 = tpu.memref_squeeze %dma_wait3A_76 : memref<1x2x8x384xf32, #tpu.memory_space<hbm>> -> memref<2x8x384xf32, #tpu.memory_space<hbm>>
        %dma_wait3A_78 = arith.constant 0 : i32
        %dma_wait3A_79 = arith.constant 0 : i32
        %dma_wait3A_80 = tpu.memref_slice %arg3[%select_n3A, %dma_wait3A_78, %add3A_48, %dma_wait3A_79] : memref<4x2x384x384xf32, #tpu.memory_space<hbm>> -> memref<1x2x8x384xf32, #tpu.memory_space<hbm>>
        %dma_wait3A_81 = tpu.memref_squeeze %dma_wait3A_80 : memref<1x2x8x384xf32, #tpu.memory_space<hbm>> -> memref<2x8x384xf32, #tpu.memory_space<hbm>>
        tpu.wait_dma2 semaphore(%run_scoped3A : memref<!tpu.dma_semaphore, #tpu.memory_space<semaphore_mem>>) src(%dma_wait3A_81 : memref<2x8x384xf32, #tpu.memory_space<hbm>>) dst(%arg5 : memref<2x8x384xf32, #tpu.memory_space<vmem>>)
        tpu.yield
      }) : () -> ()
      %scan3A_49 = arith.constant 0 : i32
      %scan3A_50 = arith.constant 0 : i32
      %scan3A_51 = arith.constant 8 : i32
      %scan3A_52 = arith.addi %scan3A_50, %scan3A_51 : i32
      %scan3A_53 = arith.constant 1 : i32
      %scan3A_54 = scf.for %scan3A_68 = %scan3A_50 to %scan3A_52 step %scan3A_53 iter_args(%scan3A_69 = %scan3A_49) -> (i32)  : i32 {
        %add3A_70 = arith.addi %add3A_48, %scan3A_68 : i32
        %convert_element_type3A_71 = arith.sitofp %add3A_70 : i32 to f32
        %scan3A_72 = arith.constant 0 : i32
        %scan3A_73 = arith.constant 0 : i32
        %scan3A_74 = arith.constant 24 : i32
        %scan3A_75 = arith.addi %scan3A_73, %scan3A_74 : i32
        %scan3A_76 = arith.constant 1 : i32
        %scan3A_77 = scf.for %scan3A_79 = %scan3A_73 to %scan3A_75 step %scan3A_76 iter_args(%scan3A_80 = %scan3A_72) -> (i32)  : i32 {
          %mul3A_81 = arith.constant 16 : i32
          %mul3A_82 = arith.muli %scan3A_79, %mul3A_81 : i32
          %convert_element_type3A_83 = arith.sitofp %mul3A_82 : i32 to f32
          %add3A_84 = vector.broadcast %convert_element_type3A_83 : f32 to vector<16xf32>
          %add3A_85 = arith.addf %add3A_84, %convert_element_type3A : vector<16xf32>
          %get3A = arith.constant 0 : i32
          %get3A_86 = arith.index_cast %get3A : i32 to index
          %get3A_87 = arith.index_cast %scan3A_68 : i32 to index
          %get3A_88 = arith.index_cast %mul3A_82 : i32 to index
          %get3A_89 = tpu.vector_load %arg5[%get3A_86, %get3A_87, %get3A_88] {strides = array<i32>} : memref<2x8x384xf32, #tpu.memory_space<vmem>>, vector<16xf32>,
          %get3A_90 = arith.constant 1 : i32
          %get3A_91 = arith.index_cast %get3A_90 : i32 to index
          %get3A_92 = arith.index_cast %scan3A_68 : i32 to index
          %get3A_93 = arith.index_cast %mul3A_82 : i32 to index
          %get3A_94 = tpu.vector_load %arg5[%get3A_91, %get3A_92, %get3A_93] {strides = array<i32>} : memref<2x8x384xf32, #tpu.memory_space<vmem>>, vector<16xf32>,
          %sub3A_95 = vector.broadcast %convert_element_type3A_71 : f32 to vector<16xf32>
          %sub3A_96 = arith.subf %sub3A_95, %get3A_89 : vector<16xf32>
          %div3A_97 = arith.constant 1.915000e+02 : f32
          %div3A_98 = vector.broadcast %div3A_97 : f32 to vector<16xf32>
          %div3A_99 = arith.divf %sub3A_96, %div3A_98 : vector<16xf32>
          %sub3A_100 = arith.constant 1.000000e+00 : f32
          %sub3A_101 = vector.broadcast %sub3A_100 : f32 to vector<16xf32>
          %sub3A_102 = arith.subf %div3A_99, %sub3A_101 : vector<16xf32>
          %add3A_103 = arith.constant 1.000000e+00 : f32
          %add3A_104 = vector.broadcast %add3A_103 : f32 to vector<16xf32>
          %add3A_105 = arith.addf %sub3A_102, %add3A_104 : vector<16xf32>
          %mul3A_106 = arith.constant 1.915000e+02 : f32
          %mul3A_107 = vector.broadcast %mul3A_106 : f32 to vector<16xf32>
          %mul3A_108 = arith.mulf %add3A_105, %mul3A_107 : vector<16xf32>
          %sub3A_109 = arith.subf %add3A_85, %get3A_94 : vector<16xf32>
          %div3A_110 = arith.constant 1.915000e+02 : f32
          %div3A_111 = vector.broadcast %div3A_110 : f32 to vector<16xf32>
          %div3A_112 = arith.divf %sub3A_109, %div3A_111 : vector<16xf32>
          %sub3A_113 = arith.constant 1.000000e+00 : f32
          %sub3A_114 = vector.broadcast %sub3A_113 : f32 to vector<16xf32>
          %sub3A_115 = arith.subf %div3A_112, %sub3A_114 : vector<16xf32>
          %add3A_116 = arith.constant 1.000000e+00 : f32
          %add3A_117 = vector.broadcast %add3A_116 : f32 to vector<16xf32>
          %add3A_118 = arith.addf %sub3A_115, %add3A_117 : vector<16xf32>
          %mul3A_119 = arith.constant 1.915000e+02 : f32
          %mul3A_120 = vector.broadcast %mul3A_119 : f32 to vector<16xf32>
          %mul3A_121 = arith.mulf %add3A_118, %mul3A_120 : vector<16xf32>
          %jit3A_122 = arith.constant 0.000000e+00 : f32
          %jit3A_123 = arith.constant 3.830000e+02 : f32
          %max3A_124 = vector.broadcast %jit3A_122 : f32 to vector<16xf32>
          %max3A_125 = arith.maximumf %max3A_124, %mul3A_108 : vector<16xf32>
          %min3A = vector.broadcast %jit3A_123 : f32 to vector<16xf32>
          %min3A_126 = arith.minimumf %min3A, %max3A_125 : vector<16xf32>
          %jit3A_127 = arith.constant 0.000000e+00 : f32
          %jit3A_128 = arith.constant 3.830000e+02 : f32
          %max3A_129 = vector.broadcast %jit3A_127 : f32 to vector<16xf32>
          %max3A_130 = arith.maximumf %max3A_129, %mul3A_121 : vector<16xf32>
          %min3A_131 = vector.broadcast %jit3A_128 : f32 to vector<16xf32>
          %min3A_132 = arith.minimumf %min3A_131, %max3A_130 : vector<16xf32>
          %sub3A_133 = vector.broadcast %convert_element_type3A_71 : f32 to vector<16xf32>
          %sub3A_134 = arith.subf %min3A_126, %sub3A_133 : vector<16xf32>
          %add3A_135 = arith.constant 1.000000e+00 : f32
          %add3A_136 = vector.broadcast %add3A_135 : f32 to vector<16xf32>
          %add3A_137 = arith.addf %sub3A_134, %add3A_136 : vector<16xf32>
          %jit3A_138 = arith.constant 0.000000e+00 : f32
          %jit3A_139 = arith.constant 1.000000e+00 : f32
          %max3A_140 = vector.broadcast %jit3A_138 : f32 to vector<16xf32>
          %max3A_141 = arith.maximumf %max3A_140, %add3A_137 : vector<16xf32>
          %min3A_142 = vector.broadcast %jit3A_139 : f32 to vector<16xf32>
          %min3A_143 = arith.minimumf %min3A_142, %max3A_141 : vector<16xf32>
          %sub3A_144 = arith.subf %min3A_132, %add3A_85 : vector<16xf32>
          %add3A_145 = arith.constant 1.000000e+00 : f32
          %add3A_146 = vector.broadcast %add3A_145 : f32 to vector<16xf32>
          %add3A_147 = arith.addf %sub3A_144, %add3A_146 : vector<16xf32>
          %jit3A_148 = arith.constant 0.000000e+00 : f32
          %jit3A_149 = arith.constant 1.000000e+00 : f32
          %max3A_150 = vector.broadcast %jit3A_148 : f32 to vector<16xf32>
          %max3A_151 = arith.maximumf %max3A_150, %add3A_147 : vector<16xf32>
          %min3A_152 = vector.broadcast %jit3A_149 : f32 to vector<16xf32>
          %min3A_153 = arith.minimumf %min3A_152, %max3A_151 : vector<16xf32>
          %sub3A_154 = arith.constant 1.000000e+00 : f32
          %sub3A_155 = vector.broadcast %sub3A_154 : f32 to vector<16xf32>
          %sub3A_156 = arith.subf %sub3A_155, %min3A_153 : vector<16xf32>
          %sub3A_157 = arith.constant 1.000000e+00 : f32
          %sub3A_158 = vector.broadcast %sub3A_157 : f32 to vector<16xf32>
          %sub3A_159 = arith.subf %sub3A_158, %min3A_143 : vector<16xf32>
          %mul3A_160 = arith.mulf %sub3A_156, %sub3A_159 : vector<16xf32>
          %swap3A = arith.constant 0 : i32
          %swap3A_161 = arith.index_cast %swap3A : i32 to index
          %swap3A_162 = arith.index_cast %scan3A_68 : i32 to index
          %swap3A_163 = arith.index_cast %mul3A_82 : i32 to index
          %swap3A_164 = tpu.vector_load %arg6[%swap3A_161, %swap3A_162, %swap3A_163] {strides = array<i32>} : memref<4x8x384xf32, #tpu.memory_space<vmem>>, vector<16xf32>,
          tpu.vector_store %arg6[%swap3A_161, %swap3A_162, %swap3A_163], %mul3A_160 {strides = array<i32>} : memref<4x8x384xf32, #tpu.memory_space<vmem>>, vector<16xf32>,
          %sub3A_165 = arith.constant 1.000000e+00 : f32
          %sub3A_166 = vector.broadcast %sub3A_165 : f32 to vector<16xf32>
          %sub3A_167 = arith.subf %sub3A_166, %min3A_143 : vector<16xf32>
          %mul3A_168 = arith.mulf %min3A_153, %sub3A_167 : vector<16xf32>
          %swap3A_169 = arith.constant 1 : i32
          %swap3A_170 = arith.index_cast %swap3A_169 : i32 to index
          %swap3A_171 = arith.index_cast %scan3A_68 : i32 to index
          %swap3A_172 = arith.index_cast %mul3A_82 : i32 to index
          %swap3A_173 = tpu.vector_load %arg6[%swap3A_170, %swap3A_171, %swap3A_172] {strides = array<i32>} : memref<4x8x384xf32, #tpu.memory_space<vmem>>, vector<16xf32>,
          tpu.vector_store %arg6[%swap3A_170, %swap3A_171, %swap3A_172], %mul3A_168 {strides = array<i32>} : memref<4x8x384xf32, #tpu.memory_space<vmem>>, vector<16xf32>,
          %sub3A_174 = arith.constant 1.000000e+00 : f32
          %sub3A_175 = vector.broadcast %sub3A_174 : f32 to vector<16xf32>
          %sub3A_176 = arith.subf %sub3A_175, %min3A_153 : vector<16xf32>
          %mul3A_177 = arith.mulf %sub3A_176, %min3A_143 : vector<16xf32>
          %swap3A_178 = arith.constant 2 : i32
          %swap3A_179 = arith.index_cast %swap3A_178 : i32 to index
          %swap3A_180 = arith.index_cast %scan3A_68 : i32 to index
          %swap3A_181 = arith.index_cast %mul3A_82 : i32 to index
          %swap3A_182 = tpu.vector_load %arg6[%swap3A_179, %swap3A_180, %swap3A_181] {strides = array<i32>} : memref<4x8x384xf32, #tpu.memory_space<vmem>>, vector<16xf32>,
          tpu.vector_store %arg6[%swap3A_179, %swap3A_180, %swap3A_181], %mul3A_177 {strides = array<i32>} : memref<4x8x384xf32, #tpu.memory_space<vmem>>, vector<16xf32>,
          %mul3A_183 = arith.mulf %min3A_153, %min3A_143 : vector<16xf32>
          %swap3A_184 = arith.constant 3 : i32
          %swap3A_185 = arith.index_cast %swap3A_184 : i32 to index
          %swap3A_186 = arith.index_cast %scan3A_68 : i32 to index
          %swap3A_187 = arith.index_cast %mul3A_82 : i32 to index
          %swap3A_188 = tpu.vector_load %arg6[%swap3A_185, %swap3A_186, %swap3A_187] {strides = array<i32>} : memref<4x8x384xf32, #tpu.memory_space<vmem>>, vector<16xf32>,
          tpu.vector_store %arg6[%swap3A_185, %swap3A_186, %swap3A_187], %mul3A_183 {strides = array<i32>} : memref<4x8x384xf32, #tpu.memory_space<vmem>>, vector<16xf32>,
          %scan3A_189 = arith.constant 0 : i32
          scf.yield %scan3A_189 : i32
        }
        %scan3A_78 = arith.constant 24 : i32
        scf.yield %scan3A_77 : i32
      }
      %scan3A_55 = arith.constant 8 : i32
      %sub3A_56 = arith.constant 1 : i32
      %sub3A_57 = arith.subi %add3A_48, %sub3A_56 : i32
      %max3A_58 = arith.constant 0 : i32
      %max3A_59 = arith.maxsi %sub3A_57, %max3A_58 : i32
      %scan3A_60 = arith.constant 0 : i32
      %scan3A_61 = arith.constant 0 : i32
      %scan3A_62 = arith.constant 24 : i32
      %scan3A_63 = arith.addi %scan3A_61, %scan3A_62 : i32
      %scan3A_64 = arith.constant 1 : i32
      %scan3A_65 = scf.for %scan3A_68 = %scan3A_61 to %scan3A_63 step %scan3A_64 iter_args(%scan3A_69 = %scan3A_60) -> (i32)  : i32 {
        %mul3A_70 = arith.constant 4 : i32
        %mul3A_71 = arith.muli %scan3A_68, %mul3A_70 : i32
        "tpu.region"() ({
          %run_scoped3A = tpu.sem_alloc : memref<!tpu.dma_semaphore, #tpu.memory_space<semaphore_mem>>
          %dma_start3A = arith.constant 0 : i32
          %dma_start3A_101 = arith.constant 1 : i32
          %dma_start3A_102 = arith.constant 0 : i32
          %dma_start3A_103 = tpu.memref_slice %arg7[%dma_start3A, %dma_start3A_101, %dma_start3A_102] : memref<4x9x384xf32, #tpu.memory_space<vmem>> -> memref<4x8x384xf32, #tpu.memory_space<vmem>>
          %dma_start3A_104 = arith.constant 0 : i32
          %dma_start3A_105 = tpu.memref_slice %arg2[%select_n3A, %mul3A_71, %add3A_48, %dma_start3A_104] : memref<4x96x384x384xf32, #tpu.memory_space<hbm>> -> memref<1x4x8x384xf32, #tpu.memory_space<hbm>>
          %dma_start3A_106 = tpu.memref_squeeze %dma_start3A_105 : memref<1x4x8x384xf32, #tpu.memory_space<hbm>> -> memref<4x8x384xf32, #tpu.memory_space<hbm>>
          %dma_start3A_107 = arith.constant 0 : i32
          %dma_start3A_108 = arith.constant 1 : i32
          %dma_start3A_109 = arith.constant 0 : i32
          %dma_start3A_110 = tpu.memref_slice %arg7[%dma_start3A_107, %dma_start3A_108, %dma_start3A_109] : memref<4x9x384xf32, #tpu.memory_space<vmem>> -> memref<4x8x384xf32, #tpu.memory_space<vmem>>
          %dma_start3A_111 = arith.constant 0 : i32
          %dma_start3A_112 = tpu.memref_slice %arg2[%select_n3A, %mul3A_71, %add3A_48, %dma_start3A_111] : memref<4x96x384x384xf32, #tpu.memory_space<hbm>> -> memref<1x4x8x384xf32, #tpu.memory_space<hbm>>
          %dma_start3A_113 = tpu.memref_squeeze %dma_start3A_112 : memref<1x4x8x384xf32, #tpu.memory_space<hbm>> -> memref<4x8x384xf32, #tpu.memory_space<hbm>>
          tpu.enqueue_dma source(%dma_start3A_113 : memref<4x8x384xf32, #tpu.memory_space<hbm>>) target(%dma_start3A_110 : memref<4x8x384xf32, #tpu.memory_space<vmem>>) target_semaphore(%run_scoped3A : memref<!tpu.dma_semaphore, #tpu.memory_space<semaphore_mem>>)
          %dma_wait3A = arith.constant 0 : i32
          %dma_wait3A_114 = arith.constant 1 : i32
          %dma_wait3A_115 = arith.constant 0 : i32
          %dma_wait3A_116 = tpu.memref_slice %arg7[%dma_wait3A, %dma_wait3A_114, %dma_wait3A_115] : memref<4x9x384xf32, #tpu.memory_space<vmem>> -> memref<4x8x384xf32, #tpu.memory_space<vmem>>
          %dma_wait3A_117 = arith.constant 0 : i32
          %dma_wait3A_118 = tpu.memref_slice %arg2[%select_n3A, %mul3A_71, %add3A_48, %dma_wait3A_117] : memref<4x96x384x384xf32, #tpu.memory_space<hbm>> -> memref<1x4x8x384xf32, #tpu.memory_space<hbm>>
          %dma_wait3A_119 = tpu.memref_squeeze %dma_wait3A_118 : memref<1x4x8x384xf32, #tpu.memory_space<hbm>> -> memref<4x8x384xf32, #tpu.memory_space<hbm>>
          %dma_wait3A_120 = arith.constant 0 : i32
          %dma_wait3A_121 = arith.constant 1 : i32
          %dma_wait3A_122 = arith.constant 0 : i32
          %dma_wait3A_123 = tpu.memref_slice %arg7[%dma_wait3A_120, %dma_wait3A_121, %dma_wait3A_122] : memref<4x9x384xf32, #tpu.memory_space<vmem>> -> memref<4x8x384xf32, #tpu.memory_space<vmem>>
          %dma_wait3A_124 = arith.constant 0 : i32
          %dma_wait3A_125 = tpu.memref_slice %arg2[%select_n3A, %mul3A_71, %add3A_48, %dma_wait3A_124] : memref<4x96x384x384xf32, #tpu.memory_space<hbm>> -> memref<1x4x8x384xf32, #tpu.memory_space<hbm>>
          %dma_wait3A_126 = tpu.memref_squeeze %dma_wait3A_125 : memref<1x4x8x384xf32, #tpu.memory_space<hbm>> -> memref<4x8x384xf32, #tpu.memory_space<hbm>>
          tpu.wait_dma2 semaphore(%run_scoped3A : memref<!tpu.dma_semaphore, #tpu.memory_space<semaphore_mem>>) src(%dma_wait3A_126 : memref<4x8x384xf32, #tpu.memory_space<hbm>>) dst(%dma_wait3A_123 : memref<4x8x384xf32, #tpu.memory_space<vmem>>)
          tpu.yield
        }) : () -> ()
        "tpu.region"() ({
          %run_scoped3A = tpu.sem_alloc : memref<!tpu.dma_semaphore, #tpu.memory_space<semaphore_mem>>
          %dma_start3A = arith.constant 0 : i32
          %dma_start3A_101 = arith.constant 0 : i32
          %dma_start3A_102 = arith.constant 0 : i32
          %dma_start3A_103 = tpu.memref_slice %arg7[%dma_start3A, %dma_start3A_101, %dma_start3A_102] : memref<4x9x384xf32, #tpu.memory_space<vmem>> -> memref<4x1x384xf32, #tpu.memory_space<vmem>>
          %dma_start3A_104 = arith.constant 0 : i32
          %dma_start3A_105 = tpu.memref_slice %arg2[%select_n3A, %mul3A_71, %max3A_59, %dma_start3A_104] : memref<4x96x384x384xf32, #tpu.memory_space<hbm>> -> memref<1x4x1x384xf32, #tpu.memory_space<hbm>>
          %dma_start3A_106 = tpu.memref_squeeze %dma_start3A_105 : memref<1x4x1x384xf32, #tpu.memory_space<hbm>> -> memref<4x1x384xf32, #tpu.memory_space<hbm>>
          %dma_start3A_107 = arith.constant 0 : i32
          %dma_start3A_108 = arith.constant 0 : i32
          %dma_start3A_109 = arith.constant 0 : i32
          %dma_start3A_110 = tpu.memref_slice %arg7[%dma_start3A_107, %dma_start3A_108, %dma_start3A_109] : memref<4x9x384xf32, #tpu.memory_space<vmem>> -> memref<4x1x384xf32, #tpu.memory_space<vmem>>
          %dma_start3A_111 = arith.constant 0 : i32
          %dma_start3A_112 = tpu.memref_slice %arg2[%select_n3A, %mul3A_71, %max3A_59, %dma_start3A_111] : memref<4x96x384x384xf32, #tpu.memory_space<hbm>> -> memref<1x4x1x384xf32, #tpu.memory_space<hbm>>
          %dma_start3A_113 = tpu.memref_squeeze %dma_start3A_112 : memref<1x4x1x384xf32, #tpu.memory_space<hbm>> -> memref<4x1x384xf32, #tpu.memory_space<hbm>>
          tpu.enqueue_dma source(%dma_start3A_113 : memref<4x1x384xf32, #tpu.memory_space<hbm>>) target(%dma_start3A_110 : memref<4x1x384xf32, #tpu.memory_space<vmem>>) target_semaphore(%run_scoped3A : memref<!tpu.dma_semaphore, #tpu.memory_space<semaphore_mem>>)
          %dma_wait3A = arith.constant 0 : i32
          %dma_wait3A_114 = arith.constant 0 : i32
          %dma_wait3A_115 = arith.constant 0 : i32
          %dma_wait3A_116 = tpu.memref_slice %arg7[%dma_wait3A, %dma_wait3A_114, %dma_wait3A_115] : memref<4x9x384xf32, #tpu.memory_space<vmem>> -> memref<4x1x384xf32, #tpu.memory_space<vmem>>
          %dma_wait3A_117 = arith.constant 0 : i32
          %dma_wait3A_118 = tpu.memref_slice %arg2[%select_n3A, %mul3A_71, %max3A_59, %dma_wait3A_117] : memref<4x96x384x384xf32, #tpu.memory_space<hbm>> -> memref<1x4x1x384xf32, #tpu.memory_space<hbm>>
          %dma_wait3A_119 = tpu.memref_squeeze %dma_wait3A_118 : memref<1x4x1x384xf32, #tpu.memory_space<hbm>> -> memref<4x1x384xf32, #tpu.memory_space<hbm>>
          %dma_wait3A_120 = arith.constant 0 : i32
          %dma_wait3A_121 = arith.constant 0 : i32
          %dma_wait3A_122 = arith.constant 0 : i32
          %dma_wait3A_123 = tpu.memref_slice %arg7[%dma_wait3A_120, %dma_wait3A_121, %dma_wait3A_122] : memref<4x9x384xf32, #tpu.memory_space<vmem>> -> memref<4x1x384xf32, #tpu.memory_space<vmem>>
          %dma_wait3A_124 = arith.constant 0 : i32
          %dma_wait3A_125 = tpu.memref_slice %arg2[%select_n3A, %mul3A_71, %max3A_59, %dma_wait3A_124] : memref<4x96x384x384xf32, #tpu.memory_space<hbm>> -> memref<1x4x1x384xf32, #tpu.memory_space<hbm>>
          %dma_wait3A_126 = tpu.memref_squeeze %dma_wait3A_125 : memref<1x4x1x384xf32, #tpu.memory_space<hbm>> -> memref<4x1x384xf32, #tpu.memory_space<hbm>>
          tpu.wait_dma2 semaphore(%run_scoped3A : memref<!tpu.dma_semaphore, #tpu.memory_space<semaphore_mem>>) src(%dma_wait3A_126 : memref<4x1x384xf32, #tpu.memory_space<hbm>>) dst(%dma_wait3A_123 : memref<4x1x384xf32, #tpu.memory_space<vmem>>)
          tpu.yield
        }) : () -> ()
        %scan3A_72 = arith.constant 0 : i32
        %scan3A_73 = arith.constant 0 : i32
        %scan3A_74 = arith.constant 8 : i32
        %scan3A_75 = arith.addi %scan3A_73, %scan3A_74 : i32
        %scan3A_76 = arith.constant 1 : i32
        %scan3A_77 = scf.for %scan3A_101 = %scan3A_73 to %scan3A_75 step %scan3A_76 iter_args(%scan3A_102 = %scan3A_72) -> (i32)  : i32 {
          %broadcast_in_dim3A = vector.broadcast %scan3A_101 : i32 to vector<16xi32>
          %broadcast_in_dim3A_103 = arith.constant 0 : i32
          %broadcast_in_dim3A_104 = vector.broadcast %broadcast_in_dim3A_103 : i32 to vector<16xi32>
          %gather3A = tpu.vector_load_idx %arg7[%broadcast_in_dim3A_104, %broadcast_in_dim3A, %max3A_37] : memref<4x9x384xf32, #tpu.memory_space<vmem>>[vector<16xi32>, vector<16xi32>, vector<16xi32>], vector<16xf32>,
          %broadcast_in_dim3A_105 = arith.constant 0 : i32
          %broadcast_in_dim3A_106 = vector.broadcast %broadcast_in_dim3A_105 : i32 to vector<16xi32>
          %add3A_107 = arith.constant 1 : i32
          %add3A_108 = vector.broadcast %add3A_107 : i32 to vector<16xi32>
          %add3A_109 = arith.addi %broadcast_in_dim3A, %add3A_108 : vector<16xi32>
          %gather3A_110 = tpu.vector_load_idx %arg7[%broadcast_in_dim3A_106, %add3A_109, %max3A_37] : memref<4x9x384xf32, #tpu.memory_space<vmem>>[vector<16xi32>, vector<16xi32>, vector<16xi32>], vector<16xf32>,
          %get3A = arith.constant 0 : i32
          %get3A_111 = arith.index_cast %get3A : i32 to index
          %get3A_112 = arith.index_cast %scan3A_101 : i32 to index
          %get3A_113 = arith.constant 0 : index
          %get3A_114 = tpu.vector_load %arg7[%get3A_111, %get3A_112, %get3A_113] {strides = array<i32>} : memref<4x9x384xf32, #tpu.memory_space<vmem>>, vector<16xf32>,
          %add3A_115 = arith.constant 1 : i32
          %add3A_116 = arith.addi %scan3A_101, %add3A_115 : i32
          %get3A_117 = arith.constant 0 : i32
          %get3A_118 = arith.index_cast %get3A_117 : i32 to index
          %get3A_119 = arith.index_cast %add3A_116 : i32 to index
          %get3A_120 = arith.constant 0 : index
          %get3A_121 = tpu.vector_load %arg7[%get3A_118, %get3A_119, %get3A_120] {strides = array<i32>} : memref<4x9x384xf32, #tpu.memory_space<vmem>>, vector<16xf32>,
          %get3A_122 = arith.constant 0 : i32
          %get3A_123 = arith.index_cast %get3A_122 : i32 to index
          %get3A_124 = arith.index_cast %scan3A_101 : i32 to index
          %get3A_125 = arith.constant 0 : index
          %get3A_126 = tpu.vector_load %arg6[%get3A_123, %get3A_124, %get3A_125] {strides = array<i32>} : memref<4x8x384xf32, #tpu.memory_space<vmem>>, vector<16xf32>,
          %mul3A_127 = arith.mulf %get3A_126, %gather3A : vector<16xf32>
          %get3A_128 = arith.constant 1 : i32
          %get3A_129 = arith.index_cast %get3A_128 : i32 to index
          %get3A_130 = arith.index_cast %scan3A_101 : i32 to index
          %get3A_131 = arith.constant 0 : index
          %get3A_132 = tpu.vector_load %arg6[%get3A_129, %get3A_130, %get3A_131] {strides = array<i32>} : memref<4x8x384xf32, #tpu.memory_space<vmem>>, vector<16xf32>,
          %mul3A_133 = arith.mulf %get3A_132, %get3A_114 : vector<16xf32>
          %add3A_134 = arith.addf %mul3A_127, %mul3A_133 : vector<16xf32>
          %get3A_135 = arith.constant 2 : i32
          %get3A_136 = arith.index_cast %get3A_135 : i32 to index
          %get3A_137 = arith.index_cast %scan3A_101 : i32 to index
          %get3A_138 = arith.constant 0 : index
          %get3A_139 = tpu.vector_load %arg6[%get3A_136, %get3A_137, %get3A_138] {strides = array<i32>} : memref<4x8x384xf32, #tpu.memory_space<vmem>>, vector<16xf32>,
          %mul3A_140 = arith.mulf %get3A_139, %gather3A_110 : vector<16xf32>
          %get3A_141 = arith.constant 3 : i32
          %get3A_142 = arith.index_cast %get3A_141 : i32 to index
          %get3A_143 = arith.index_cast %scan3A_101 : i32 to index
          %get3A_144 = arith.constant 0 : index
          %get3A_145 = tpu.vector_load %arg6[%get3A_142, %get3A_143, %get3A_144] {strides = array<i32>} : memref<4x8x384xf32, #tpu.memory_space<vmem>>, vector<16xf32>,
          %mul3A_146 = arith.mulf %get3A_145, %get3A_121 : vector<16xf32>
          %add3A_147 = arith.addf %mul3A_140, %mul3A_146 : vector<16xf32>
          %add3A_148 = arith.addf %add3A_134, %add3A_147 : vector<16xf32>
          %swap3A = arith.constant 0 : i32
          %swap3A_149 = arith.index_cast %swap3A : i32 to index
          %swap3A_150 = arith.index_cast %scan3A_101 : i32 to index
          %swap3A_151 = arith.constant 0 : index
          %swap3A_152 = tpu.vector_load %arg8[%swap3A_149, %swap3A_150, %swap3A_151] {strides = array<i32>} : memref<4x8x384xf32, #tpu.memory_space<vmem>>, vector<16xf32>,
          tpu.vector_store %arg8[%swap3A_149, %swap3A_150, %swap3A_151], %add3A_148 {strides = array<i32>} : memref<4x8x384xf32, #tpu.memory_space<vmem>>, vector<16xf32>,
          %scan3A_153 = arith.constant 0 : i32
          %scan3A_154 = arith.constant 1 : i32
          %scan3A_155 = arith.constant 23 : i32
          %scan3A_156 = arith.addi %scan3A_154, %scan3A_155 : i32
          %scan3A_157 = arith.constant 1 : i32
          %scan3A_158 = scf.for %scan3A_161 = %scan3A_154 to %scan3A_156 step %scan3A_157 iter_args(%scan3A_162 = %scan3A_153) -> (i32)  : i32 {
            %mul3A_163 = arith.constant 16 : i32
            %mul3A_164 = arith.muli %scan3A_161, %mul3A_163 : i32
            %sub3A_165 = arith.constant 1 : i32
            %sub3A_166 = arith.subi %mul3A_164, %sub3A_165 : i32
            %get3A_167 = arith.constant 0 : i32
            %get3A_168 = arith.index_cast %get3A_167 : i32 to index
            %get3A_169 = arith.index_cast %scan3A_101 : i32 to index
            %get3A_170 = arith.index_cast %sub3A_166 : i32 to index
            %get3A_171 = tpu.vector_load %arg7[%get3A_168, %get3A_169, %get3A_170] {strides = array<i32>} : memref<4x9x384xf32, #tpu.memory_space<vmem>>, vector<16xf32>,
            %add3A_172 = arith.constant 1 : i32
            %add3A_173 = arith.addi %scan3A_101, %add3A_172 : i32
            %sub3A_174 = arith.constant 1 : i32
            %sub3A_175 = arith.subi %mul3A_164, %sub3A_174 : i32
            %get3A_176 = arith.constant 0 : i32
            %get3A_177 = arith.index_cast %get3A_176 : i32 to index
            %get3A_178 = arith.index_cast %add3A_173 : i32 to index
            %get3A_179 = arith.index_cast %sub3A_175 : i32 to index
            %get3A_180 = tpu.vector_load %arg7[%get3A_177, %get3A_178, %get3A_179] {strides = array<i32>} : memref<4x9x384xf32, #tpu.memory_space<vmem>>, vector<16xf32>,
            %get3A_181 = arith.constant 0 : i32
            %get3A_182 = arith.index_cast %get3A_181 : i32 to index
            %get3A_183 = arith.index_cast %scan3A_101 : i32 to index
            %get3A_184 = arith.index_cast %mul3A_164 : i32 to index
            %get3A_185 = tpu.vector_load %arg7[%get3A_182, %get3A_183, %get3A_184] {strides = array<i32>} : memref<4x9x384xf32, #tpu.memory_space<vmem>>, vector<16xf32>,
            %add3A_186 = arith.constant 1 : i32
            %add3A_187 = arith.addi %scan3A_101, %add3A_186 : i32
            %get3A_188 = arith.constant 0 : i32
            %get3A_189 = arith.index_cast %get3A_188 : i32 to index
            %get3A_190 = arith.index_cast %add3A_187 : i32 to index
            %get3A_191 = arith.index_cast %mul3A_164 : i32 to index
            %get3A_192 = tpu.vector_load %arg7[%get3A_189, %get3A_190, %get3A_191] {strides = array<i32>} : memref<4x9x384xf32, #tpu.memory_space<vmem>>, vector<16xf32>,
            %get3A_193 = arith.constant 0 : i32
            %get3A_194 = arith.index_cast %get3A_193 : i32 to index
            %get3A_195 = arith.index_cast %scan3A_101 : i32 to index
            %get3A_196 = arith.index_cast %mul3A_164 : i32 to index
            %get3A_197 = tpu.vector_load %arg6[%get3A_194, %get3A_195, %get3A_196] {strides = array<i32>} : memref<4x8x384xf32, #tpu.memory_space<vmem>>, vector<16xf32>,
            %mul3A_198 = arith.mulf %get3A_197, %get3A_171 : vector<16xf32>
            %get3A_199 = arith.constant 1 : i32
            %get3A_200 = arith.index_cast %get3A_199 : i32 to index
            %get3A_201 = arith.index_cast %scan3A_101 : i32 to index
            %get3A_202 = arith.index_cast %mul3A_164 : i32 to index
            %get3A_203 = tpu.vector_load %arg6[%get3A_200, %get3A_201, %get3A_202] {strides = array<i32>} : memref<4x8x384xf32, #tpu.memory_space<vmem>>, vector<16xf32>,
            %mul3A_204 = arith.mulf %get3A_203, %get3A_185 : vector<16xf32>
            %add3A_205 = arith.addf %mul3A_198, %mul3A_204 : vector<16xf32>
            %get3A_206 = arith.constant 2 : i32
            %get3A_207 = arith.index_cast %get3A_206 : i32 to index
            %get3A_208 = arith.index_cast %scan3A_101 : i32 to index
            %get3A_209 = arith.index_cast %mul3A_164 : i32 to index
            %get3A_210 = tpu.vector_load %arg6[%get3A_207, %get3A_208, %get3A_209] {strides = array<i32>} : memref<4x8x384xf32, #tpu.memory_space<vmem>>, vector<16xf32>,
            %mul3A_211 = arith.mulf %get3A_210, %get3A_180 : vector<16xf32>
            %get3A_212 = arith.constant 3 : i32
            %get3A_213 = arith.index_cast %get3A_212 : i32 to index
            %get3A_214 = arith.index_cast %scan3A_101 : i32 to index
            %get3A_215 = arith.index_cast %mul3A_164 : i32 to index
            %get3A_216 = tpu.vector_load %arg6[%get3A_213, %get3A_214, %get3A_215] {strides = array<i32>} : memref<4x8x384xf32, #tpu.memory_space<vmem>>, vector<16xf32>,
            %mul3A_217 = arith.mulf %get3A_216, %get3A_192 : vector<16xf32>
            %add3A_218 = arith.addf %mul3A_211, %mul3A_217 : vector<16xf32>
            %add3A_219 = arith.addf %add3A_205, %add3A_218 : vector<16xf32>
            %swap3A_220 = arith.constant 0 : i32
            %swap3A_221 = arith.index_cast %swap3A_220 : i32 to index
            %swap3A_222 = arith.index_cast %scan3A_101 : i32 to index
            %swap3A_223 = arith.index_cast %mul3A_164 : i32 to index
            %swap3A_224 = tpu.vector_load %arg8[%swap3A_221, %swap3A_222, %swap3A_223] {strides = array<i32>} : memref<4x8x384xf32, #tpu.memory_space<vmem>>, vector<16xf32>,
            tpu.vector_store %arg8[%swap3A_221, %swap3A_222, %swap3A_223], %add3A_219 {strides = array<i32>} : memref<4x8x384xf32, #tpu.memory_space<vmem>>, vector<16xf32>,
            %scan3A_225 = arith.constant 0 : i32
            scf.yield %scan3A_225 : i32
          }
          %scan3A_159 = arith.constant 23 : i32
          %scan3A_160 = arith.constant 0 : i32
          scf.yield %scan3A_160 : i32
        }
        %scan3A_78 = arith.constant 8 : i32
        %scan3A_79 = arith.constant 0 : i32
        %scan3A_80 = arith.constant 0 : i32
        %scan3A_81 = arith.constant 8 : i32
        %scan3A_82 = arith.addi %scan3A_80, %scan3A_81 : i32
        %scan3A_83 = arith.constant 1 : i32
        %scan3A_84 = scf.for %scan3A_101 = %scan3A_80 to %scan3A_82 step %scan3A_83 iter_args(%scan3A_102 = %scan3A_79) -> (i32)  : i32 {
          %broadcast_in_dim3A = vector.broadcast %scan3A_101 : i32 to vector<16xi32>
          %broadcast_in_dim3A_103 = arith.constant 1 : i32
          %broadcast_in_dim3A_104 = vector.broadcast %broadcast_in_dim3A_103 : i32 to vector<16xi32>
          %gather3A = tpu.vector_load_idx %arg7[%broadcast_in_dim3A_104, %broadcast_in_dim3A, %max3A_37] : memref<4x9x384xf32, #tpu.memory_space<vmem>>[vector<16xi32>, vector<16xi32>, vector<16xi32>], vector<16xf32>,
          %broadcast_in_dim3A_105 = arith.constant 1 : i32
          %broadcast_in_dim3A_106 = vector.broadcast %broadcast_in_dim3A_105 : i32 to vector<16xi32>
          %add3A_107 = arith.constant 1 : i32
          %add3A_108 = vector.broadcast %add3A_107 : i32 to vector<16xi32>
          %add3A_109 = arith.addi %broadcast_in_dim3A, %add3A_108 : vector<16xi32>
          %gather3A_110 = tpu.vector_load_idx %arg7[%broadcast_in_dim3A_106, %add3A_109, %max3A_37] : memref<4x9x384xf32, #tpu.memory_space<vmem>>[vector<16xi32>, vector<16xi32>, vector<16xi32>], vector<16xf32>,
          %get3A = arith.constant 1 : i32
          %get3A_111 = arith.index_cast %get3A : i32 to index
          %get3A_112 = arith.index_cast %scan3A_101 : i32 to index
          %get3A_113 = arith.constant 0 : index
          %get3A_114 = tpu.vector_load %arg7[%get3A_111, %get3A_112, %get3A_113] {strides = array<i32>} : memref<4x9x384xf32, #tpu.memory_space<vmem>>, vector<16xf32>,
          %add3A_115 = arith.constant 1 : i32
          %add3A_116 = arith.addi %scan3A_101, %add3A_115 : i32
          %get3A_117 = arith.constant 1 : i32
          %get3A_118 = arith.index_cast %get3A_117 : i32 to index
          %get3A_119 = arith.index_cast %add3A_116 : i32 to index
          %get3A_120 = arith.constant 0 : index
          %get3A_121 = tpu.vector_load %arg7[%get3A_118, %get3A_119, %get3A_120] {strides = array<i32>} : memref<4x9x384xf32, #tpu.memory_space<vmem>>, vector<16xf32>,
          %get3A_122 = arith.constant 0 : i32
          %get3A_123 = arith.index_cast %get3A_122 : i32 to index
          %get3A_124 = arith.index_cast %scan3A_101 : i32 to index
          %get3A_125 = arith.constant 0 : index
          %get3A_126 = tpu.vector_load %arg6[%get3A_123, %get3A_124, %get3A_125] {strides = array<i32>} : memref<4x8x384xf32, #tpu.memory_space<vmem>>, vector<16xf32>,
          %mul3A_127 = arith.mulf %get3A_126, %gather3A : vector<16xf32>
          %get3A_128 = arith.constant 1 : i32
          %get3A_129 = arith.index_cast %get3A_128 : i32 to index
          %get3A_130 = arith.index_cast %scan3A_101 : i32 to index
          %get3A_131 = arith.constant 0 : index
          %get3A_132 = tpu.vector_load %arg6[%get3A_129, %get3A_130, %get3A_131] {strides = array<i32>} : memref<4x8x384xf32, #tpu.memory_space<vmem>>, vector<16xf32>,
          %mul3A_133 = arith.mulf %get3A_132, %get3A_114 : vector<16xf32>
          %add3A_134 = arith.addf %mul3A_127, %mul3A_133 : vector<16xf32>
          %get3A_135 = arith.constant 2 : i32
          %get3A_136 = arith.index_cast %get3A_135 : i32 to index
          %get3A_137 = arith.index_cast %scan3A_101 : i32 to index
          %get3A_138 = arith.constant 0 : index
          %get3A_139 = tpu.vector_load %arg6[%get3A_136, %get3A_137, %get3A_138] {strides = array<i32>} : memref<4x8x384xf32, #tpu.memory_space<vmem>>, vector<16xf32>,
          %mul3A_140 = arith.mulf %get3A_139, %gather3A_110 : vector<16xf32>
          %get3A_141 = arith.constant 3 : i32
          %get3A_142 = arith.index_cast %get3A_141 : i32 to index
          %get3A_143 = arith.index_cast %scan3A_101 : i32 to index
          %get3A_144 = arith.constant 0 : index
          %get3A_145 = tpu.vector_load %arg6[%get3A_142, %get3A_143, %get3A_144] {strides = array<i32>} : memref<4x8x384xf32, #tpu.memory_space<vmem>>, vector<16xf32>,
          %mul3A_146 = arith.mulf %get3A_145, %get3A_121 : vector<16xf32>
          %add3A_147 = arith.addf %mul3A_140, %mul3A_146 : vector<16xf32>
          %add3A_148 = arith.addf %add3A_134, %add3A_147 : vector<16xf32>
          %swap3A = arith.constant 1 : i32
          %swap3A_149 = arith.index_cast %swap3A : i32 to index
          %swap3A_150 = arith.index_cast %scan3A_101 : i32 to index
          %swap3A_151 = arith.constant 0 : index
          %swap3A_152 = tpu.vector_load %arg8[%swap3A_149, %swap3A_150, %swap3A_151] {strides = array<i32>} : memref<4x8x384xf32, #tpu.memory_space<vmem>>, vector<16xf32>,
          tpu.vector_store %arg8[%swap3A_149, %swap3A_150, %swap3A_151], %add3A_148 {strides = array<i32>} : memref<4x8x384xf32, #tpu.memory_space<vmem>>, vector<16xf32>,
          %scan3A_153 = arith.constant 0 : i32
          %scan3A_154 = arith.constant 1 : i32
          %scan3A_155 = arith.constant 23 : i32
          %scan3A_156 = arith.addi %scan3A_154, %scan3A_155 : i32
          %scan3A_157 = arith.constant 1 : i32
          %scan3A_158 = scf.for %scan3A_161 = %scan3A_154 to %scan3A_156 step %scan3A_157 iter_args(%scan3A_162 = %scan3A_153) -> (i32)  : i32 {
            %mul3A_163 = arith.constant 16 : i32
            %mul3A_164 = arith.muli %scan3A_161, %mul3A_163 : i32
            %sub3A_165 = arith.constant 1 : i32
            %sub3A_166 = arith.subi %mul3A_164, %sub3A_165 : i32
            %get3A_167 = arith.constant 1 : i32
            %get3A_168 = arith.index_cast %get3A_167 : i32 to index
            %get3A_169 = arith.index_cast %scan3A_101 : i32 to index
            %get3A_170 = arith.index_cast %sub3A_166 : i32 to index
            %get3A_171 = tpu.vector_load %arg7[%get3A_168, %get3A_169, %get3A_170] {strides = array<i32>} : memref<4x9x384xf32, #tpu.memory_space<vmem>>, vector<16xf32>,
            %add3A_172 = arith.constant 1 : i32
            %add3A_173 = arith.addi %scan3A_101, %add3A_172 : i32
            %sub3A_174 = arith.constant 1 : i32
            %sub3A_175 = arith.subi %mul3A_164, %sub3A_174 : i32
            %get3A_176 = arith.constant 1 : i32
            %get3A_177 = arith.index_cast %get3A_176 : i32 to index
            %get3A_178 = arith.index_cast %add3A_173 : i32 to index
            %get3A_179 = arith.index_cast %sub3A_175 : i32 to index
            %get3A_180 = tpu.vector_load %arg7[%get3A_177, %get3A_178, %get3A_179] {strides = array<i32>} : memref<4x9x384xf32, #tpu.memory_space<vmem>>, vector<16xf32>,
            %get3A_181 = arith.constant 1 : i32
            %get3A_182 = arith.index_cast %get3A_181 : i32 to index
            %get3A_183 = arith.index_cast %scan3A_101 : i32 to index
            %get3A_184 = arith.index_cast %mul3A_164 : i32 to index
            %get3A_185 = tpu.vector_load %arg7[%get3A_182, %get3A_183, %get3A_184] {strides = array<i32>} : memref<4x9x384xf32, #tpu.memory_space<vmem>>, vector<16xf32>,
            %add3A_186 = arith.constant 1 : i32
            %add3A_187 = arith.addi %scan3A_101, %add3A_186 : i32
            %get3A_188 = arith.constant 1 : i32
            %get3A_189 = arith.index_cast %get3A_188 : i32 to index
            %get3A_190 = arith.index_cast %add3A_187 : i32 to index
            %get3A_191 = arith.index_cast %mul3A_164 : i32 to index
            %get3A_192 = tpu.vector_load %arg7[%get3A_189, %get3A_190, %get3A_191] {strides = array<i32>} : memref<4x9x384xf32, #tpu.memory_space<vmem>>, vector<16xf32>,
            %get3A_193 = arith.constant 0 : i32
            %get3A_194 = arith.index_cast %get3A_193 : i32 to index
            %get3A_195 = arith.index_cast %scan3A_101 : i32 to index
            %get3A_196 = arith.index_cast %mul3A_164 : i32 to index
            %get3A_197 = tpu.vector_load %arg6[%get3A_194, %get3A_195, %get3A_196] {strides = array<i32>} : memref<4x8x384xf32, #tpu.memory_space<vmem>>, vector<16xf32>,
            %mul3A_198 = arith.mulf %get3A_197, %get3A_171 : vector<16xf32>
            %get3A_199 = arith.constant 1 : i32
            %get3A_200 = arith.index_cast %get3A_199 : i32 to index
            %get3A_201 = arith.index_cast %scan3A_101 : i32 to index
            %get3A_202 = arith.index_cast %mul3A_164 : i32 to index
            %get3A_203 = tpu.vector_load %arg6[%get3A_200, %get3A_201, %get3A_202] {strides = array<i32>} : memref<4x8x384xf32, #tpu.memory_space<vmem>>, vector<16xf32>,
            %mul3A_204 = arith.mulf %get3A_203, %get3A_185 : vector<16xf32>
            %add3A_205 = arith.addf %mul3A_198, %mul3A_204 : vector<16xf32>
            %get3A_206 = arith.constant 2 : i32
            %get3A_207 = arith.index_cast %get3A_206 : i32 to index
            %get3A_208 = arith.index_cast %scan3A_101 : i32 to index
            %get3A_209 = arith.index_cast %mul3A_164 : i32 to index
            %get3A_210 = tpu.vector_load %arg6[%get3A_207, %get3A_208, %get3A_209] {strides = array<i32>} : memref<4x8x384xf32, #tpu.memory_space<vmem>>, vector<16xf32>,
            %mul3A_211 = arith.mulf %get3A_210, %get3A_180 : vector<16xf32>
            %get3A_212 = arith.constant 3 : i32
            %get3A_213 = arith.index_cast %get3A_212 : i32 to index
            %get3A_214 = arith.index_cast %scan3A_101 : i32 to index
            %get3A_215 = arith.index_cast %mul3A_164 : i32 to index
            %get3A_216 = tpu.vector_load %arg6[%get3A_213, %get3A_214, %get3A_215] {strides = array<i32>} : memref<4x8x384xf32, #tpu.memory_space<vmem>>, vector<16xf32>,
            %mul3A_217 = arith.mulf %get3A_216, %get3A_192 : vector<16xf32>
            %add3A_218 = arith.addf %mul3A_211, %mul3A_217 : vector<16xf32>
            %add3A_219 = arith.addf %add3A_205, %add3A_218 : vector<16xf32>
            %swap3A_220 = arith.constant 1 : i32
            %swap3A_221 = arith.index_cast %swap3A_220 : i32 to index
            %swap3A_222 = arith.index_cast %scan3A_101 : i32 to index
            %swap3A_223 = arith.index_cast %mul3A_164 : i32 to index
            %swap3A_224 = tpu.vector_load %arg8[%swap3A_221, %swap3A_222, %swap3A_223] {strides = array<i32>} : memref<4x8x384xf32, #tpu.memory_space<vmem>>, vector<16xf32>,
            tpu.vector_store %arg8[%swap3A_221, %swap3A_222, %swap3A_223], %add3A_219 {strides = array<i32>} : memref<4x8x384xf32, #tpu.memory_space<vmem>>, vector<16xf32>,
            %scan3A_225 = arith.constant 0 : i32
            scf.yield %scan3A_225 : i32
          }
          %scan3A_159 = arith.constant 23 : i32
          %scan3A_160 = arith.constant 0 : i32
          scf.yield %scan3A_160 : i32
        }
        %scan3A_85 = arith.constant 8 : i32
        %scan3A_86 = arith.constant 0 : i32
        %scan3A_87 = arith.constant 0 : i32
        %scan3A_88 = arith.constant 8 : i32
        %scan3A_89 = arith.addi %scan3A_87, %scan3A_88 : i32
        %scan3A_90 = arith.constant 1 : i32
        %scan3A_91 = scf.for %scan3A_101 = %scan3A_87 to %scan3A_89 step %scan3A_90 iter_args(%scan3A_102 = %scan3A_86) -> (i32)  : i32 {
          %broadcast_in_dim3A = vector.broadcast %scan3A_101 : i32 to vector<16xi32>
          %broadcast_in_dim3A_103 = arith.constant 2 : i32
          %broadcast_in_dim3A_104 = vector.broadcast %broadcast_in_dim3A_103 : i32 to vector<16xi32>
          %gather3A = tpu.vector_load_idx %arg7[%broadcast_in_dim3A_104, %broadcast_in_dim3A, %max3A_37] : memref<4x9x384xf32, #tpu.memory_space<vmem>>[vector<16xi32>, vector<16xi32>, vector<16xi32>], vector<16xf32>,
          %broadcast_in_dim3A_105 = arith.constant 2 : i32
          %broadcast_in_dim3A_106 = vector.broadcast %broadcast_in_dim3A_105 : i32 to vector<16xi32>
          %add3A_107 = arith.constant 1 : i32
          %add3A_108 = vector.broadcast %add3A_107 : i32 to vector<16xi32>
          %add3A_109 = arith.addi %broadcast_in_dim3A, %add3A_108 : vector<16xi32>
          %gather3A_110 = tpu.vector_load_idx %arg7[%broadcast_in_dim3A_106, %add3A_109, %max3A_37] : memref<4x9x384xf32, #tpu.memory_space<vmem>>[vector<16xi32>, vector<16xi32>, vector<16xi32>], vector<16xf32>,
          %get3A = arith.constant 2 : i32
          %get3A_111 = arith.index_cast %get3A : i32 to index
          %get3A_112 = arith.index_cast %scan3A_101 : i32 to index
          %get3A_113 = arith.constant 0 : index
          %get3A_114 = tpu.vector_load %arg7[%get3A_111, %get3A_112, %get3A_113] {strides = array<i32>} : memref<4x9x384xf32, #tpu.memory_space<vmem>>, vector<16xf32>,
          %add3A_115 = arith.constant 1 : i32
          %add3A_116 = arith.addi %scan3A_101, %add3A_115 : i32
          %get3A_117 = arith.constant 2 : i32
          %get3A_118 = arith.index_cast %get3A_117 : i32 to index
          %get3A_119 = arith.index_cast %add3A_116 : i32 to index
          %get3A_120 = arith.constant 0 : index
          %get3A_121 = tpu.vector_load %arg7[%get3A_118, %get3A_119, %get3A_120] {strides = array<i32>} : memref<4x9x384xf32, #tpu.memory_space<vmem>>, vector<16xf32>,
          %get3A_122 = arith.constant 0 : i32
          %get3A_123 = arith.index_cast %get3A_122 : i32 to index
          %get3A_124 = arith.index_cast %scan3A_101 : i32 to index
          %get3A_125 = arith.constant 0 : index
          %get3A_126 = tpu.vector_load %arg6[%get3A_123, %get3A_124, %get3A_125] {strides = array<i32>} : memref<4x8x384xf32, #tpu.memory_space<vmem>>, vector<16xf32>,
          %mul3A_127 = arith.mulf %get3A_126, %gather3A : vector<16xf32>
          %get3A_128 = arith.constant 1 : i32
          %get3A_129 = arith.index_cast %get3A_128 : i32 to index
          %get3A_130 = arith.index_cast %scan3A_101 : i32 to index
          %get3A_131 = arith.constant 0 : index
          %get3A_132 = tpu.vector_load %arg6[%get3A_129, %get3A_130, %get3A_131] {strides = array<i32>} : memref<4x8x384xf32, #tpu.memory_space<vmem>>, vector<16xf32>,
          %mul3A_133 = arith.mulf %get3A_132, %get3A_114 : vector<16xf32>
          %add3A_134 = arith.addf %mul3A_127, %mul3A_133 : vector<16xf32>
          %get3A_135 = arith.constant 2 : i32
          %get3A_136 = arith.index_cast %get3A_135 : i32 to index
          %get3A_137 = arith.index_cast %scan3A_101 : i32 to index
          %get3A_138 = arith.constant 0 : index
          %get3A_139 = tpu.vector_load %arg6[%get3A_136, %get3A_137, %get3A_138] {strides = array<i32>} : memref<4x8x384xf32, #tpu.memory_space<vmem>>, vector<16xf32>,
          %mul3A_140 = arith.mulf %get3A_139, %gather3A_110 : vector<16xf32>
          %get3A_141 = arith.constant 3 : i32
          %get3A_142 = arith.index_cast %get3A_141 : i32 to index
          %get3A_143 = arith.index_cast %scan3A_101 : i32 to index
          %get3A_144 = arith.constant 0 : index
          %get3A_145 = tpu.vector_load %arg6[%get3A_142, %get3A_143, %get3A_144] {strides = array<i32>} : memref<4x8x384xf32, #tpu.memory_space<vmem>>, vector<16xf32>,
          %mul3A_146 = arith.mulf %get3A_145, %get3A_121 : vector<16xf32>
          %add3A_147 = arith.addf %mul3A_140, %mul3A_146 : vector<16xf32>
          %add3A_148 = arith.addf %add3A_134, %add3A_147 : vector<16xf32>
          %swap3A = arith.constant 2 : i32
          %swap3A_149 = arith.index_cast %swap3A : i32 to index
          %swap3A_150 = arith.index_cast %scan3A_101 : i32 to index
          %swap3A_151 = arith.constant 0 : index
          %swap3A_152 = tpu.vector_load %arg8[%swap3A_149, %swap3A_150, %swap3A_151] {strides = array<i32>} : memref<4x8x384xf32, #tpu.memory_space<vmem>>, vector<16xf32>,
          tpu.vector_store %arg8[%swap3A_149, %swap3A_150, %swap3A_151], %add3A_148 {strides = array<i32>} : memref<4x8x384xf32, #tpu.memory_space<vmem>>, vector<16xf32>,
          %scan3A_153 = arith.constant 0 : i32
          %scan3A_154 = arith.constant 1 : i32
          %scan3A_155 = arith.constant 23 : i32
          %scan3A_156 = arith.addi %scan3A_154, %scan3A_155 : i32
          %scan3A_157 = arith.constant 1 : i32
          %scan3A_158 = scf.for %scan3A_161 = %scan3A_154 to %scan3A_156 step %scan3A_157 iter_args(%scan3A_162 = %scan3A_153) -> (i32)  : i32 {
            %mul3A_163 = arith.constant 16 : i32
            %mul3A_164 = arith.muli %scan3A_161, %mul3A_163 : i32
            %sub3A_165 = arith.constant 1 : i32
            %sub3A_166 = arith.subi %mul3A_164, %sub3A_165 : i32
            %get3A_167 = arith.constant 2 : i32
            %get3A_168 = arith.index_cast %get3A_167 : i32 to index
            %get3A_169 = arith.index_cast %scan3A_101 : i32 to index
            %get3A_170 = arith.index_cast %sub3A_166 : i32 to index
            %get3A_171 = tpu.vector_load %arg7[%get3A_168, %get3A_169, %get3A_170] {strides = array<i32>} : memref<4x9x384xf32, #tpu.memory_space<vmem>>, vector<16xf32>,
            %add3A_172 = arith.constant 1 : i32
            %add3A_173 = arith.addi %scan3A_101, %add3A_172 : i32
            %sub3A_174 = arith.constant 1 : i32
            %sub3A_175 = arith.subi %mul3A_164, %sub3A_174 : i32
            %get3A_176 = arith.constant 2 : i32
            %get3A_177 = arith.index_cast %get3A_176 : i32 to index
            %get3A_178 = arith.index_cast %add3A_173 : i32 to index
            %get3A_179 = arith.index_cast %sub3A_175 : i32 to index
            %get3A_180 = tpu.vector_load %arg7[%get3A_177, %get3A_178, %get3A_179] {strides = array<i32>} : memref<4x9x384xf32, #tpu.memory_space<vmem>>, vector<16xf32>,
            %get3A_181 = arith.constant 2 : i32
            %get3A_182 = arith.index_cast %get3A_181 : i32 to index
            %get3A_183 = arith.index_cast %scan3A_101 : i32 to index
            %get3A_184 = arith.index_cast %mul3A_164 : i32 to index
            %get3A_185 = tpu.vector_load %arg7[%get3A_182, %get3A_183, %get3A_184] {strides = array<i32>} : memref<4x9x384xf32, #tpu.memory_space<vmem>>, vector<16xf32>,
            %add3A_186 = arith.constant 1 : i32
            %add3A_187 = arith.addi %scan3A_101, %add3A_186 : i32
            %get3A_188 = arith.constant 2 : i32
            %get3A_189 = arith.index_cast %get3A_188 : i32 to index
            %get3A_190 = arith.index_cast %add3A_187 : i32 to index
            %get3A_191 = arith.index_cast %mul3A_164 : i32 to index
            %get3A_192 = tpu.vector_load %arg7[%get3A_189, %get3A_190, %get3A_191] {strides = array<i32>} : memref<4x9x384xf32, #tpu.memory_space<vmem>>, vector<16xf32>,
            %get3A_193 = arith.constant 0 : i32
            %get3A_194 = arith.index_cast %get3A_193 : i32 to index
            %get3A_195 = arith.index_cast %scan3A_101 : i32 to index
            %get3A_196 = arith.index_cast %mul3A_164 : i32 to index
            %get3A_197 = tpu.vector_load %arg6[%get3A_194, %get3A_195, %get3A_196] {strides = array<i32>} : memref<4x8x384xf32, #tpu.memory_space<vmem>>, vector<16xf32>,
            %mul3A_198 = arith.mulf %get3A_197, %get3A_171 : vector<16xf32>
            %get3A_199 = arith.constant 1 : i32
            %get3A_200 = arith.index_cast %get3A_199 : i32 to index
            %get3A_201 = arith.index_cast %scan3A_101 : i32 to index
            %get3A_202 = arith.index_cast %mul3A_164 : i32 to index
            %get3A_203 = tpu.vector_load %arg6[%get3A_200, %get3A_201, %get3A_202] {strides = array<i32>} : memref<4x8x384xf32, #tpu.memory_space<vmem>>, vector<16xf32>,
            %mul3A_204 = arith.mulf %get3A_203, %get3A_185 : vector<16xf32>
            %add3A_205 = arith.addf %mul3A_198, %mul3A_204 : vector<16xf32>
            %get3A_206 = arith.constant 2 : i32
            %get3A_207 = arith.index_cast %get3A_206 : i32 to index
            %get3A_208 = arith.index_cast %scan3A_101 : i32 to index
            %get3A_209 = arith.index_cast %mul3A_164 : i32 to index
            %get3A_210 = tpu.vector_load %arg6[%get3A_207, %get3A_208, %get3A_209] {strides = array<i32>} : memref<4x8x384xf32, #tpu.memory_space<vmem>>, vector<16xf32>,
            %mul3A_211 = arith.mulf %get3A_210, %get3A_180 : vector<16xf32>
            %get3A_212 = arith.constant 3 : i32
            %get3A_213 = arith.index_cast %get3A_212 : i32 to index
            %get3A_214 = arith.index_cast %scan3A_101 : i32 to index
            %get3A_215 = arith.index_cast %mul3A_164 : i32 to index
            %get3A_216 = tpu.vector_load %arg6[%get3A_213, %get3A_214, %get3A_215] {strides = array<i32>} : memref<4x8x384xf32, #tpu.memory_space<vmem>>, vector<16xf32>,
            %mul3A_217 = arith.mulf %get3A_216, %get3A_192 : vector<16xf32>
            %add3A_218 = arith.addf %mul3A_211, %mul3A_217 : vector<16xf32>
            %add3A_219 = arith.addf %add3A_205, %add3A_218 : vector<16xf32>
            %swap3A_220 = arith.constant 2 : i32
            %swap3A_221 = arith.index_cast %swap3A_220 : i32 to index
            %swap3A_222 = arith.index_cast %scan3A_101 : i32 to index
            %swap3A_223 = arith.index_cast %mul3A_164 : i32 to index
            %swap3A_224 = tpu.vector_load %arg8[%swap3A_221, %swap3A_222, %swap3A_223] {strides = array<i32>} : memref<4x8x384xf32, #tpu.memory_space<vmem>>, vector<16xf32>,
            tpu.vector_store %arg8[%swap3A_221, %swap3A_222, %swap3A_223], %add3A_219 {strides = array<i32>} : memref<4x8x384xf32, #tpu.memory_space<vmem>>, vector<16xf32>,
            %scan3A_225 = arith.constant 0 : i32
            scf.yield %scan3A_225 : i32
          }
          %scan3A_159 = arith.constant 23 : i32
          %scan3A_160 = arith.constant 0 : i32
          scf.yield %scan3A_160 : i32
        }
        %scan3A_92 = arith.constant 8 : i32
        %scan3A_93 = arith.constant 0 : i32
        %scan3A_94 = arith.constant 0 : i32
        %scan3A_95 = arith.constant 8 : i32
        %scan3A_96 = arith.addi %scan3A_94, %scan3A_95 : i32
        %scan3A_97 = arith.constant 1 : i32
        %scan3A_98 = scf.for %scan3A_101 = %scan3A_94 to %scan3A_96 step %scan3A_97 iter_args(%scan3A_102 = %scan3A_93) -> (i32)  : i32 {
          %broadcast_in_dim3A = vector.broadcast %scan3A_101 : i32 to vector<16xi32>
          %broadcast_in_dim3A_103 = arith.constant 3 : i32
          %broadcast_in_dim3A_104 = vector.broadcast %broadcast_in_dim3A_103 : i32 to vector<16xi32>
          %gather3A = tpu.vector_load_idx %arg7[%broadcast_in_dim3A_104, %broadcast_in_dim3A, %max3A_37] : memref<4x9x384xf32, #tpu.memory_space<vmem>>[vector<16xi32>, vector<16xi32>, vector<16xi32>], vector<16xf32>,
          %broadcast_in_dim3A_105 = arith.constant 3 : i32
          %broadcast_in_dim3A_106 = vector.broadcast %broadcast_in_dim3A_105 : i32 to vector<16xi32>
          %add3A_107 = arith.constant 1 : i32
          %add3A_108 = vector.broadcast %add3A_107 : i32 to vector<16xi32>
          %add3A_109 = arith.addi %broadcast_in_dim3A, %add3A_108 : vector<16xi32>
          %gather3A_110 = tpu.vector_load_idx %arg7[%broadcast_in_dim3A_106, %add3A_109, %max3A_37] : memref<4x9x384xf32, #tpu.memory_space<vmem>>[vector<16xi32>, vector<16xi32>, vector<16xi32>], vector<16xf32>,
          %get3A = arith.constant 3 : i32
          %get3A_111 = arith.index_cast %get3A : i32 to index
          %get3A_112 = arith.index_cast %scan3A_101 : i32 to index
          %get3A_113 = arith.constant 0 : index
          %get3A_114 = tpu.vector_load %arg7[%get3A_111, %get3A_112, %get3A_113] {strides = array<i32>} : memref<4x9x384xf32, #tpu.memory_space<vmem>>, vector<16xf32>,
          %add3A_115 = arith.constant 1 : i32
          %add3A_116 = arith.addi %scan3A_101, %add3A_115 : i32
          %get3A_117 = arith.constant 3 : i32
          %get3A_118 = arith.index_cast %get3A_117 : i32 to index
          %get3A_119 = arith.index_cast %add3A_116 : i32 to index
          %get3A_120 = arith.constant 0 : index
          %get3A_121 = tpu.vector_load %arg7[%get3A_118, %get3A_119, %get3A_120] {strides = array<i32>} : memref<4x9x384xf32, #tpu.memory_space<vmem>>, vector<16xf32>,
          %get3A_122 = arith.constant 0 : i32
          %get3A_123 = arith.index_cast %get3A_122 : i32 to index
          %get3A_124 = arith.index_cast %scan3A_101 : i32 to index
          %get3A_125 = arith.constant 0 : index
          %get3A_126 = tpu.vector_load %arg6[%get3A_123, %get3A_124, %get3A_125] {strides = array<i32>} : memref<4x8x384xf32, #tpu.memory_space<vmem>>, vector<16xf32>,
          %mul3A_127 = arith.mulf %get3A_126, %gather3A : vector<16xf32>
          %get3A_128 = arith.constant 1 : i32
          %get3A_129 = arith.index_cast %get3A_128 : i32 to index
          %get3A_130 = arith.index_cast %scan3A_101 : i32 to index
          %get3A_131 = arith.constant 0 : index
          %get3A_132 = tpu.vector_load %arg6[%get3A_129, %get3A_130, %get3A_131] {strides = array<i32>} : memref<4x8x384xf32, #tpu.memory_space<vmem>>, vector<16xf32>,
          %mul3A_133 = arith.mulf %get3A_132, %get3A_114 : vector<16xf32>
          %add3A_134 = arith.addf %mul3A_127, %mul3A_133 : vector<16xf32>
          %get3A_135 = arith.constant 2 : i32
          %get3A_136 = arith.index_cast %get3A_135 : i32 to index
          %get3A_137 = arith.index_cast %scan3A_101 : i32 to index
          %get3A_138 = arith.constant 0 : index
          %get3A_139 = tpu.vector_load %arg6[%get3A_136, %get3A_137, %get3A_138] {strides = array<i32>} : memref<4x8x384xf32, #tpu.memory_space<vmem>>, vector<16xf32>,
          %mul3A_140 = arith.mulf %get3A_139, %gather3A_110 : vector<16xf32>
          %get3A_141 = arith.constant 3 : i32
          %get3A_142 = arith.index_cast %get3A_141 : i32 to index
          %get3A_143 = arith.index_cast %scan3A_101 : i32 to index
          %get3A_144 = arith.constant 0 : index
          %get3A_145 = tpu.vector_load %arg6[%get3A_142, %get3A_143, %get3A_144] {strides = array<i32>} : memref<4x8x384xf32, #tpu.memory_space<vmem>>, vector<16xf32>,
          %mul3A_146 = arith.mulf %get3A_145, %get3A_121 : vector<16xf32>
          %add3A_147 = arith.addf %mul3A_140, %mul3A_146 : vector<16xf32>
          %add3A_148 = arith.addf %add3A_134, %add3A_147 : vector<16xf32>
          %swap3A = arith.constant 3 : i32
          %swap3A_149 = arith.index_cast %swap3A : i32 to index
          %swap3A_150 = arith.index_cast %scan3A_101 : i32 to index
          %swap3A_151 = arith.constant 0 : index
          %swap3A_152 = tpu.vector_load %arg8[%swap3A_149, %swap3A_150, %swap3A_151] {strides = array<i32>} : memref<4x8x384xf32, #tpu.memory_space<vmem>>, vector<16xf32>,
          tpu.vector_store %arg8[%swap3A_149, %swap3A_150, %swap3A_151], %add3A_148 {strides = array<i32>} : memref<4x8x384xf32, #tpu.memory_space<vmem>>, vector<16xf32>,
          %scan3A_153 = arith.constant 0 : i32
          %scan3A_154 = arith.constant 1 : i32
          %scan3A_155 = arith.constant 23 : i32
          %scan3A_156 = arith.addi %scan3A_154, %scan3A_155 : i32
          %scan3A_157 = arith.constant 1 : i32
          %scan3A_158 = scf.for %scan3A_161 = %scan3A_154 to %scan3A_156 step %scan3A_157 iter_args(%scan3A_162 = %scan3A_153) -> (i32)  : i32 {
            %mul3A_163 = arith.constant 16 : i32
            %mul3A_164 = arith.muli %scan3A_161, %mul3A_163 : i32
            %sub3A_165 = arith.constant 1 : i32
            %sub3A_166 = arith.subi %mul3A_164, %sub3A_165 : i32
            %get3A_167 = arith.constant 3 : i32
            %get3A_168 = arith.index_cast %get3A_167 : i32 to index
            %get3A_169 = arith.index_cast %scan3A_101 : i32 to index
            %get3A_170 = arith.index_cast %sub3A_166 : i32 to index
            %get3A_171 = tpu.vector_load %arg7[%get3A_168, %get3A_169, %get3A_170] {strides = array<i32>} : memref<4x9x384xf32, #tpu.memory_space<vmem>>, vector<16xf32>,
            %add3A_172 = arith.constant 1 : i32
            %add3A_173 = arith.addi %scan3A_101, %add3A_172 : i32
            %sub3A_174 = arith.constant 1 : i32
            %sub3A_175 = arith.subi %mul3A_164, %sub3A_174 : i32
            %get3A_176 = arith.constant 3 : i32
            %get3A_177 = arith.index_cast %get3A_176 : i32 to index
            %get3A_178 = arith.index_cast %add3A_173 : i32 to index
            %get3A_179 = arith.index_cast %sub3A_175 : i32 to index
            %get3A_180 = tpu.vector_load %arg7[%get3A_177, %get3A_178, %get3A_179] {strides = array<i32>} : memref<4x9x384xf32, #tpu.memory_space<vmem>>, vector<16xf32>,
            %get3A_181 = arith.constant 3 : i32
            %get3A_182 = arith.index_cast %get3A_181 : i32 to index
            %get3A_183 = arith.index_cast %scan3A_101 : i32 to index
            %get3A_184 = arith.index_cast %mul3A_164 : i32 to index
            %get3A_185 = tpu.vector_load %arg7[%get3A_182, %get3A_183, %get3A_184] {strides = array<i32>} : memref<4x9x384xf32, #tpu.memory_space<vmem>>, vector<16xf32>,
            %add3A_186 = arith.constant 1 : i32
            %add3A_187 = arith.addi %scan3A_101, %add3A_186 : i32
            %get3A_188 = arith.constant 3 : i32
            %get3A_189 = arith.index_cast %get3A_188 : i32 to index
            %get3A_190 = arith.index_cast %add3A_187 : i32 to index
            %get3A_191 = arith.index_cast %mul3A_164 : i32 to index
            %get3A_192 = tpu.vector_load %arg7[%get3A_189, %get3A_190, %get3A_191] {strides = array<i32>} : memref<4x9x384xf32, #tpu.memory_space<vmem>>, vector<16xf32>,
            %get3A_193 = arith.constant 0 : i32
            %get3A_194 = arith.index_cast %get3A_193 : i32 to index
            %get3A_195 = arith.index_cast %scan3A_101 : i32 to index
            %get3A_196 = arith.index_cast %mul3A_164 : i32 to index
            %get3A_197 = tpu.vector_load %arg6[%get3A_194, %get3A_195, %get3A_196] {strides = array<i32>} : memref<4x8x384xf32, #tpu.memory_space<vmem>>, vector<16xf32>,
            %mul3A_198 = arith.mulf %get3A_197, %get3A_171 : vector<16xf32>
            %get3A_199 = arith.constant 1 : i32
            %get3A_200 = arith.index_cast %get3A_199 : i32 to index
            %get3A_201 = arith.index_cast %scan3A_101 : i32 to index
            %get3A_202 = arith.index_cast %mul3A_164 : i32 to index
            %get3A_203 = tpu.vector_load %arg6[%get3A_200, %get3A_201, %get3A_202] {strides = array<i32>} : memref<4x8x384xf32, #tpu.memory_space<vmem>>, vector<16xf32>,
            %mul3A_204 = arith.mulf %get3A_203, %get3A_185 : vector<16xf32>
            %add3A_205 = arith.addf %mul3A_198, %mul3A_204 : vector<16xf32>
            %get3A_206 = arith.constant 2 : i32
            %get3A_207 = arith.index_cast %get3A_206 : i32 to index
            %get3A_208 = arith.index_cast %scan3A_101 : i32 to index
            %get3A_209 = arith.index_cast %mul3A_164 : i32 to index
            %get3A_210 = tpu.vector_load %arg6[%get3A_207, %get3A_208, %get3A_209] {strides = array<i32>} : memref<4x8x384xf32, #tpu.memory_space<vmem>>, vector<16xf32>,
            %mul3A_211 = arith.mulf %get3A_210, %get3A_180 : vector<16xf32>
            %get3A_212 = arith.constant 3 : i32
            %get3A_213 = arith.index_cast %get3A_212 : i32 to index
            %get3A_214 = arith.index_cast %scan3A_101 : i32 to index
            %get3A_215 = arith.index_cast %mul3A_164 : i32 to index
            %get3A_216 = tpu.vector_load %arg6[%get3A_213, %get3A_214, %get3A_215] {strides = array<i32>} : memref<4x8x384xf32, #tpu.memory_space<vmem>>, vector<16xf32>,
            %mul3A_217 = arith.mulf %get3A_216, %get3A_192 : vector<16xf32>
            %add3A_218 = arith.addf %mul3A_211, %mul3A_217 : vector<16xf32>
            %add3A_219 = arith.addf %add3A_205, %add3A_218 : vector<16xf32>
            %swap3A_220 = arith.constant 3 : i32
            %swap3A_221 = arith.index_cast %swap3A_220 : i32 to index
            %swap3A_222 = arith.index_cast %scan3A_101 : i32 to index
            %swap3A_223 = arith.index_cast %mul3A_164 : i32 to index
            %swap3A_224 = tpu.vector_load %arg8[%swap3A_221, %swap3A_222, %swap3A_223] {strides = array<i32>} : memref<4x8x384xf32, #tpu.memory_space<vmem>>, vector<16xf32>,
            tpu.vector_store %arg8[%swap3A_221, %swap3A_222, %swap3A_223], %add3A_219 {strides = array<i32>} : memref<4x8x384xf32, #tpu.memory_space<vmem>>, vector<16xf32>,
            %scan3A_225 = arith.constant 0 : i32
            scf.yield %scan3A_225 : i32
          }
          %scan3A_159 = arith.constant 23 : i32
          %scan3A_160 = arith.constant 0 : i32
          scf.yield %scan3A_160 : i32
        }
        %scan3A_99 = arith.constant 8 : i32
        "tpu.region"() ({
          %run_scoped3A = tpu.sem_alloc : memref<!tpu.dma_semaphore, #tpu.memory_space<semaphore_mem>>
          %dma_start3A = arith.constant 0 : i32
          %dma_start3A_101 = tpu.memref_slice %arg4[%select_n3A, %mul3A_71, %add3A_48, %dma_start3A] : memref<4x96x384x384xf32, #tpu.memory_space<hbm>> -> memref<1x4x8x384xf32, #tpu.memory_space<hbm>>
          %dma_start3A_102 = tpu.memref_squeeze %dma_start3A_101 : memref<1x4x8x384xf32, #tpu.memory_space<hbm>> -> memref<4x8x384xf32, #tpu.memory_space<hbm>>
          %dma_start3A_103 = arith.constant 0 : i32
          %dma_start3A_104 = tpu.memref_slice %arg4[%select_n3A, %mul3A_71, %add3A_48, %dma_start3A_103] : memref<4x96x384x384xf32, #tpu.memory_space<hbm>> -> memref<1x4x8x384xf32, #tpu.memory_space<hbm>>
          %dma_start3A_105 = tpu.memref_squeeze %dma_start3A_104 : memref<1x4x8x384xf32, #tpu.memory_space<hbm>> -> memref<4x8x384xf32, #tpu.memory_space<hbm>>
          tpu.enqueue_dma source(%arg8 : memref<4x8x384xf32, #tpu.memory_space<vmem>>) target(%dma_start3A_105 : memref<4x8x384xf32, #tpu.memory_space<hbm>>) target_semaphore(%run_scoped3A : memref<!tpu.dma_semaphore, #tpu.memory_space<semaphore_mem>>)
          %dma_wait3A = arith.constant 0 : i32
          %dma_wait3A_106 = tpu.memref_slice %arg4[%select_n3A, %mul3A_71, %add3A_48, %dma_wait3A] : memref<4x96x384x384xf32, #tpu.memory_space<hbm>> -> memref<1x4x8x384xf32, #tpu.memory_space<hbm>>
          %dma_wait3A_107 = tpu.memref_squeeze %dma_wait3A_106 : memref<1x4x8x384xf32, #tpu.memory_space<hbm>> -> memref<4x8x384xf32, #tpu.memory_space<hbm>>
          %dma_wait3A_108 = arith.constant 0 : i32
          %dma_wait3A_109 = tpu.memref_slice %arg4[%select_n3A, %mul3A_71, %add3A_48, %dma_wait3A_108] : memref<4x96x384x384xf32, #tpu.memory_space<hbm>> -> memref<1x4x8x384xf32, #tpu.memory_space<hbm>>
          %dma_wait3A_110 = tpu.memref_squeeze %dma_wait3A_109 : memref<1x4x8x384xf32, #tpu.memory_space<hbm>> -> memref<4x8x384xf32, #tpu.memory_space<hbm>>
          tpu.wait_dma2 semaphore(%run_scoped3A : memref<!tpu.dma_semaphore, #tpu.memory_space<semaphore_mem>>) src(%arg8 : memref<4x8x384xf32, #tpu.memory_space<vmem>>) dst(%dma_wait3A_110 : memref<4x8x384xf32, #tpu.memory_space<hbm>>)
          tpu.yield
        }) : () -> ()
        %scan3A_100 = arith.constant 0 : i32
        scf.yield %scan3A_100 : i32
      }
      %scan3A_66 = arith.constant 24 : i32
      %scan3A_67 = arith.constant 0 : i32
      scf.yield %scan3A_67 : i32
    }
    %scan3A_43 = arith.constant 6 : i32
    return
  }
}

</mosaic_0001>

<sc_bundles>
// kernel: kernel.3.cloned.1.call-start
scs
__scs_entry_jumppad:
0x0: {  	(pc) =	sbr.rel $0x88, $3  }
0x1: {  	(tag) =	ssettag $0x0;
	lr =	simm.s32 $0x1  }
0x2: {  	[smem:$0x3F9F] =	sst lr;
	_ =	strace $0xD0000000  }
0x3: {  	_ = 	snop  }
0x4: {  	_ = 	snop  }
0x5: {  	_ = 	snop  }
0x6: {  	_ = 	snop  }
0x7: {  	_ = 	snop  }
__scs_overlays_trampoline_lowered:
0x8: {  	[smem:$0x3FAE] =	sst s0  }
0x9: {  	[smem:$0x3FAF] =	sst s1  }
0xa: {  	[smem:$0x3FB0] =	sst s2  }
0xb: {  	[smem:$0x3FB1] =	sst s3  }
0xc: {  	[smem:$0x3FB2] =	sst s4  }
0xd: {  	[smem:$0x3FB3] =	sst s5  }
0xe: {  	[smem:$0x3FB4] =	sst s6  }
0xf: {  	[smem:$0x3FB5] =	sst s7  }
0x10: {  	[smem:$0x3FB6] =	sst s8  }
0x11: {  	[smem:$0x3FB7] =	sst s9;
	s0 =	simm.s32 @!p0 $0x0  }
0x12: {  	s1 =	sld [smem:$0x3F9D];
	s0 =	simm.s32 @p0 $0x1  }
0x13: {  	[smem:$0x3FB8] =	sst s0;
	s0 =	simm.s32 @!p1 $0x0  }
0x14: {  	s2 =	sld [smem:$0x3F9C];
	s0 =	simm.s32 @p1 $0x1  }
0x15: {  	[smem:$0x3FB9] =	sst s0;
	s0 =	simm.s32 @!p2 $0x0  }
0x16: {  	s3 =	sld [smem:$0x3FDB];
	s0 =	simm.s32 @p2 $0x1  }
0x17: {  	s4 =	simm.s32 $0x1BF5;
	[smem:$0x3FBB] =	sst s0  }
0x18: {  	s0 =	sld [smem:$0x3F9E];
	_ =	swait.ge [sflag:s4], $0x0  }
0x19: {  	s7 =	sld [smem:$0x3F9F]  }
0x1a: {  	s8 =	sadd.s32 $0xFFFFE003, lr  }
0x1b: {  	s9 =	sadd.s32 $0xFFFFFEF7, lr;
	s5 =	simm.s32 $0xFFFFFFFF;
	p2 =	slt.u32 s8, $0xFFFFF086  }
0x1c: {  	p1 =	slt.u32 s9, $0xF7A;
	s5 =	simm.s32 @!p2 $0x0  }
0x1d: {  	s5 =	simm.s32 @p1 $0x1;
	p0 =	seq.s32 s7, s2  }
0x1e: {  	s7 =	smul.u32 @!p0 $0xF7A, s2;
	p2 =	seq.s32 @!p0 s5, $0x0  }
0x1f: {  	s9 =	smul.u32 $0xF7A, s1;
	s8 =	simm.s32 @!p0 $0x1BF5;
	p2 =	por !p2, p0  }
0x20: {  	[sflag:s8] =	ssyncset.s32 @!p0 $0xFFFFF086;
	s6 =	sadd.s32 @!p0 s3, s7;
	s7 =	simm.s32 @!p0 $0x108  }
0x21: {  	s3 =	sadd.s32 s3, s9;
	s6 =	sadd.s32 @!p0 $0x88, s6;
	s7 =	simm.s32 @p2 $0x1082  }
0x22: {  	[simem:s7], [sflag:s8] =	dma.local @!p0 [hbm:s6], $0xF7A  }
0x23: {  	s9 =	sor.u32 $0xD0000000, s2;
	s6 =	simm.s32 $0x108;
	_ =	swait.ge @!p0 [sflag:s8], $0x0  }
0x24: {  	s3 =	sadd.s32 $0x88, s3;
	s6 =	simm.s32 @!p1 $0x1082;
	[sflag:s4] =	ssyncset.s32 $0xFFFFF086  }
0x25: {  	[simem:s6], [sflag:s4] =	dma.local [hbm:s3], $0xF7A  }
0x26: {  	[smem:$0x3F9F] =	sst s1;
	(tag) =	ssettag s2;
	_ =	strace s9  }
0x27: {  	s1 =	sld [smem:$0x3FAF]  }
0x28: {  	s2 =	sld [smem:$0x3FB0]  }
0x29: {  	s4 =	sld [smem:$0x3FB2]  }
0x2a: {  	p0 =	seq.s32 s5, $0x0;
	s5 =	sld [smem:$0x3FB3]  }
0x2b: {  	s6 =	sld [smem:$0x3FB4]  }
0x2c: {  	s7 =	sld [smem:$0x3FB5]  }
0x2d: {  	s3 =	simm.s32 $0x108;
	s8 =	sld [smem:$0x3FB6]  }
0x2e: {  	s3 =	simm.s32 @!p0 $0x1082;
	s9 =	sld [smem:$0x3FB7]  }
0x2f: {  	lr =	sadd.s32 s0, s3;
	s0 =	sld [smem:$0x3FAE]  }
0x30: {  	s3 =	sld [smem:$0x3FB1]  }
0x31: {  	[smem:$0x3FBA] =	sst s10  }
0x32: {  	s10 =	sld [smem:$0x3FB8];
	_ =	sdelay $0x3  }
0x33: {  	p0 =	seq.s32 s10, $0x1;
	s10 =	sld [smem:$0x3FBA];
	_ =	sdelay $0x3  }
0x34: {  	[smem:$0x3FBA] =	sst s10  }
0x35: {  	s10 =	sld [smem:$0x3FB9];
	_ =	sdelay $0x3  }
0x36: {  	p1 =	seq.s32 s10, $0x1;
	s10 =	sld [smem:$0x3FBA];
	_ =	sdelay $0x3  }
0x37: {  	[smem:$0x3FBA] =	sst s10  }
0x38: {  	s10 =	sld [smem:$0x3FBB]  }
0x39: {  	_ = 	snop;
	(pc) =	sbr.ind lr, $3  }
0x3a: {  	_ = 	snop  }
0x3b: {  	_ = 	snop  }
0x3c: {  	p2 =	seq.s32 s10, $0x1;
	s10 =	sld [smem:$0x3FBA]  }
0x3d: {  	_ =	shalt  }
0x3e: {  	_ =	shalt  }
0x3f: {  	_ =	shalt  }
0x40: {  	_ =	shalt  }
0x41: {  	_ =	shalt  }
0x42: {  	_ =	shalt  }
0x43: {  	_ =	shalt  }
0x44: {  	_ =	shalt  }
0x45: {  	_ =	shalt  }
0x46: {  	_ =	shalt  }
0x47: {  	_ =	shalt  }
0x48: {  	_ =	shalt  }
0x49: {  	_ =	shalt  }
0x4a: {  	_ =	shalt  }
0x4b: {  	_ =	shalt  }
0x4c: {  	_ =	shalt  }
0x4d: {  	_ =	shalt  }
0x4e: {  	_ =	shalt  }
0x4f: {  	_ =	shalt  }
0x50: {  	_ =	shalt  }
0x51: {  	_ =	shalt  }
0x52: {  	_ =	shalt  }
0x53: {  	_ =	shalt  }
0x54: {  	_ =	shalt  }
0x55: {  	_ =	shalt  }
0x56: {  	_ =	shalt  }
0x57: {  	_ =	shalt  }
0x58: {  	_ =	shalt  }
0x59: {  	_ =	shalt  }
0x5a: {  	_ =	shalt  }
0x5b: {  	_ =	shalt  }
0x5c: {  	_ =	shalt  }
0x5d: {  	_ =	shalt  }
0x5e: {  	_ =	shalt  }
0x5f: {  	_ =	shalt  }
0x60: {  	_ =	shalt  }
0x61: {  	_ =	shalt  }
0x62: {  	_ =	shalt  }
0x63: {  	_ =	shalt  }
0x64: {  	_ =	shalt  }
0x65: {  	_ =	shalt  }
0x66: {  	_ =	shalt  }
0x67: {  	_ =	shalt  }
0x68: {  	_ =	shalt  }
0x69: {  	_ =	shalt  }
0x6a: {  	_ =	shalt  }
0x6b: {  	_ =	shalt  }
0x6c: {  	_ =	shalt  }
0x6d: {  	_ =	shalt  }
0x6e: {  	_ =	shalt  }
0x6f: {  	_ =	shalt  }
0x70: {  	_ =	shalt  }
0x71: {  	_ =	shalt  }
0x72: {  	_ =	shalt  }
0x73: {  	_ =	shalt  }
0x74: {  	_ =	shalt  }
0x75: {  	_ =	shalt  }
0x76: {  	_ =	shalt  }
0x77: {  	_ =	shalt  }
0x78: {  	_ =	shalt  }
0x79: {  	_ =	shalt  }
0x7a: {  	_ =	shalt  }
0x7b: {  	_ =	shalt  }
0x7c: {  	_ =	shalt  }
0x7d: {  	_ =	shalt  }
0x7e: {  	_ =	shalt  }
0x7f: {  	_ =	shalt  }
0x80: {  	_ =	shalt  }
0x81: {  	_ =	shalt  }
0x82: {  	_ =	shalt  }
0x83: {  	_ =	shalt  }
0x84: {  	_ =	shalt  }
0x85: {  	_ =	shalt  }
0x86: {  	_ =	shalt  }
0x87: {  	_ =	shalt  }
.Lfunc_end0:
.L_simem_size_0:
called_computation_lowered:
.L_overlay_start_0:
0x88: {  	s2 =	sld [smem:$0x3FD9]  }
0x89: {  	s3 =	sld [smem:$0x3FFE];
	_ =	sdelay $0x1  }
0x8a: {  	s1 =	srdreg.scid  }
0x8b: {  	s0 =	sand.u32 $0x1, s1  }
0x8c: {  	s17 =	sshll.u32 s0, $0xA;
	s2 =	sadd.s32 s3, s2  }
0x8d: {  	s2 =	sadd.s32 s2, s17  }
0x8e: {  	[smem:$0x3FC6] =	sst s2  }
0x8f: {  	_ = 	snop  }
0x90: {  	s2 =	sld [smem:$0x3FD0];
	(tm) =	ssettm $0x1  }
0x91: {  	s18 =	sld [smem:$0x3FFB];
	_ =	sdelay $0x3  }
0x92: {  	_ =	strace s18  }
0x93: {  	s3 =	sld [smem:$0x3FFC];
	_ =	sdelay $0x3  }
0x94: {  	_ =	strace s3  }
0x95: {  	s3 =	sld [smem:$0x3FFD];
	_ =	sdelay $0x3  }
0x96: {  	_ =	strace s3  }
0x97: {  	_ =	strace $0x8FFFFFFF  }
0x98: {  	s19 =	sld [smem:$0x3FDB];
	_ =	sdelay $0x1  }
0x99: {  	s4 =	simm.s32 $_scs_section_size  }
0x9a: {  	s5 =	simm.s32 $_size__tile_overlayer_lowered;
	s6 =	simm.s32 $_tile_overlayer_lowered  }
0x9b: {  	s22 =	simm.s32 $0x1BFF;
	s21 =	sshll.u32 s6, $0x1;
	s3 =	sadd.s32 s4, s19  }
0x9c: {  	s7 =	simm.s32 $0x0;
	s20 =	sshll.u32 s5, $0x1;
	s5 =	sadd.s32 s21, s3  }
0x9d: {  	[timem:s7], [sflag:s22] =	dma.local [hbm:s5], s20  }
0x9e: {  	_ =	swait.ge [sflag:s22], s20  }
0x9f: {  	s4 =	ssub.s32 $0x0, s20;
	[sflag:s22] =	ssyncset.done $0x0  }
0xa0: {  	[sflag:s22] =	ssyncadd.s32 s4;
	_ =	sdelay $0x1  }
0xa1: {  	s23 =	simm.s32 $0x1B8B  }
0xa2: {  	_ =	swait.ge [sflag:s23], $0x1  }
0xa3: {  	[sflag:s23] =	ssyncset.done $0x0  }
0xa4: {  	s25 =	simm.s32 $0x1B8E;
	s24 =	sld [smem:$0x3FFE];
	[sflag:s23] =	ssyncadd.s32 $0xFFFFFFFF  }
0xa5: {  	s26 =	simm.s32 $execute0_lowered;
	[smem:$0x3FD2] =	sst s25  }
0xa6: {  	s5 =	sshll.u32 s26, $0x1;
	_ =	strace $0x80000046;
	[dreg:$0x1] =	wrdreg $0xFFFFFFFF  }
0xa7: {  	s28 =	simm.s32 $_size_execute0_lowered;
	s3 =	sadd.s32 s3, s5;
	[dreg:$0x0] =	wrdreg $0x0  }
0xa8: {  	s5 =	sshll.u32 s28, $0x1;
	[dreg:$0x2] =	wrdreg s3  }
0xa9: {  	[dreg:$0x3] =	wrdreg s5  }
0xaa: {  	[dreg:$0x4] =	wrdreg $0xC0  }
0xab: {  	_ =	task [dreg:s7], $0x5FFFF  }
0xac: {  	[dreg:$0x1] =	wrdreg $0xFFFFFFFF  }
0xad: {  	[dreg:$0x0] =	wrdreg $0x60  }
0xae: {  	[dreg:$0x2] =	wrdreg s2  }
0xaf: {  	[dreg:$0x3] =	wrdreg s24  }
0xb0: {  	[dreg:$0x4] =	wrdreg $0x9  }
0xb1: {  	_ =	task.clear_ibuf [dreg:s7], $0x5FFFF;
	_ =	strace $0x90000046  }
0xb2: {  	s29 =	simm.s32 $0x9;
	_ =	strace $0x80000048  }
0xb3: {  	_ =	swait.ge [sflag:s29], $0x1  }
0xb4: {  	[sflag:s29] =	ssyncadd.s32 $0xFFFFFFFF  }
0xb5: {  	_ =	strace $0x90000048  }
0xb6: {  	_ =	sfence  }
0xb7: {  	s30 =	sld [smem:$0x0];
	_ =	sdelay $0x2  }
0xb8: {  	s31 =	sshll.u32 s1, $0xD;
	s1 =	sshrl.u32 s1, $0x2  }
0xb9: {  	s3 =	sand.u32 $0x4000, s31;
	s1 =	sadd.s32 s1, s30  }
0xba: {  	s0 =	sor.u32 s3, s0;
	s1 =	sshll.u32 s1, $0x11  }
0xbb: {  	s0 =	sor.u32 s1, s0  }
0xbc: {  	s0 =	sadd.s32 $0x8F2B, s0  }
0xbd: {  	[sflag:s0] =	ssyncadd.remote.s32 $0x1  }
0xbe: {  	_ =	sfence.sel $0xFFFF  }
0xbf: {  	[dreg:$0x0] =	wrdreg $0xFFFFFFFF;
	(pc) =	sbr.abs _section_cstart, $3  }
0xc0: {  	[dreg:$0x1] =	wrdreg $0xFFFFFFFF  }
0xc1: {  	_ =	task.clear_ibuf [dreg:s7], $0x2FFFF;
	_ =	strace $0x9FFFFFFF  }
0xc2: {  	(tm) =	ssettm $0x7FFFFFFF  }
0xc3: {  	_ =	shalt  }
tec
execute0_lowered:
.L_overlay_start_1:
0x0: {  	(tag) =	ssettag $0x1  }
0x1: {  	v0 =	vimm.f32 $1.500000000e+01;
	vm0 =	vcmask $0x300;
	vm14 =	vcmask $0x704  }
0x2: {  	vm12 =	vcmask $0xB08;
	vm11 =	vcmask $0xF0C;
	vm10 =	vcmask $0x1310  }
0x3: {  	v1 =	vimm.f32 $1.915000000e+02;
	vm9 =	vcmask $0x1714;
	v2 =	vimm.s32 $0x18E  }
0x4: {  	vm13 =	vcmask $0x700;
	vm8 =	vcmask $0x1B18;
	vm7 =	vcmask $0x1F1C  }
0x5: {  	vm6 =	vcmask $0x2320;
	vm5 =	vcmask $0x2724;
	vm2 =	vcmask $0x2B28  }
0x6: {  	vm1 =	vcmask $0x2F2C;
	vm15 =	vcmask $0x3330;
	v3 =	vimm.s32 $0x65432100  }
0x7: {  	vm3 =	vcmask $0x3734;
	vm4 =	vcmask $0x3B38;
	v5 =	vimm.s32 $0x1B0E  }
0x8: {  	v6 =	vimm.s32 $0x1C8E;
	v7 =	vimm.s32 $0x288E;
	v8 =	vimm.s32 $0x2A0E  }
0x9: {  	v0 =	vsel vm0, $0x0, v0;
	v2 =	vsel vm13, $0x180, v2;
	v3 =	vunpack.c.l.s4.s8 v3  }
0xa: {  	v5 =	vsel vm13, $0x1B00, v5;
	v6 =	vsel vm13, $0x1C80, v6;
	v7 =	vsel vm13, $0x2880, v7  }
0xb: {  	s0 =	rddreg [dreg:$0x0];
	s2 =	simm.s32 $0x0;
	v8 =	vsel vm13, $0x2A00, v8;
	v0 =	vsel vm14, $0x3F800000, v0;
	v2 =	vsel vm12, $0x181, v2  }
0xc: {  	[smem:$0x7FF] =	sst s2;
	v5 =	vsel vm12, $0x1B01, v5;
	v6 =	vsel vm12, $0x1C81, v6;
	v7 =	vsel vm12, $0x2881, v7  }
0xd: {  	s7 =	rddreg [dreg:$0x1];
	_ =	strace $0x80000047;
	v8 =	vsel vm12, $0x2A01, v8;
	v0 =	vsel vm12, $0x40000000, v0;
	v2 =	vsel vm11, $0x182, v2  }
0xe: {  	(erf) = vrcp.f32 v1;
	v3 =	vunpack.c.0.s8.s32 v3;
	v5 =	vsel vm11, $0x1B02, v5  }
0xf: {  	v6 =	vsel vm11, $0x1C82, v6;
	v7 =	vsel vm11, $0x2882, v7;
	v8 =	vsel vm11, $0x2A02, v8  }
0x10: {  	v0 =	vsel vm11, $0x40400000, v0;
	v2 =	vsel vm10, $0x183, v2;
	v5 =	vsel vm10, $0x1B03, v5  }
0x11: {  	v6 =	vsel vm10, $0x1C83, v6;
	v7 =	vsel vm10, $0x2883, v7;
	v8 =	vsel vm10, $0x2A03, v8  }
0x12: {  	v0 =	vsel vm10, $0x40800000, v0;
	v2 =	vsel vm9, $0x184, v2;
	v5 =	vsel vm9, $0x1B04, v5  }
0x13: {  	v6 =	vsel vm9, $0x1C84, v6;
	v7 =	vsel vm9, $0x2884, v7;
	v8 =	vsel vm9, $0x2A04, v8  }
0x14: {  	v0 =	vsel vm9, $0x40A00000, v0;
	v2 =	vsel vm8, $0x185, v2;
	v5 =	vsel vm8, $0x1B05, v5  }
0x15: {  	v6 =	vsel vm8, $0x1C85, v6;
	v7 =	vsel vm8, $0x2885, v7;
	v8 =	vsel vm8, $0x2A05, v8  }
0x16: {  	v0 =	vsel vm8, $0x40C00000, v0;
	v1 =	vsel vm7, $0x186, v2;
	v2 =	vimm.s32 $0xEDCBA987  }
0x17: {  	v5 =	vsel vm7, $0x1B06, v5;
	v6 =	vsel vm7, $0x1C86, v6;
	v7 =	vsel vm7, $0x2886, v7  }
0x18: {  	v8 =	vsel vm7, $0x2A06, v8;
	v0 =	vsel vm7, $0x40E00000, v0;
	v1 =	vsel vm6, $0x187, v1  }
0x19: {  	v2 =	vunpack.c.l.s4.s8 v2;
	v5 =	vsel vm6, $0x1B07, v5;
	v6 =	vsel vm6, $0x1C87, v6  }
0x1a: {  	v7 =	vsel vm6, $0x2887, v7;
	v8 =	vsel vm6, $0x2A07, v8;
	v0 =	vsel vm6, $0x41000000, v0  }
0x1b: {  	v1 =	vsel vm5, $0x188, v1;
	v5 =	vsel vm5, $0x1B08, v5;
	v6 =	vsel vm5, $0x1C88, v6  }
0x1c: {  	v7 =	vsel vm5, $0x2888, v7;
	v8 =	vsel vm5, $0x2A08, v8;
	v0 =	vsel vm5, $0x41100000, v0  }
0x1d: {  	v1 =	vsel vm2, $0x189, v1;
	v2 =	vunpack.c.0.s8.s32 v2;
	v5 =	vsel vm2, $0x1B09, v5  }
0x1e: {  	v6 =	vsel vm2, $0x1C89, v6;
	v7 =	vsel vm2, $0x2889, v7;
	v8 =	vsel vm2, $0x2A09, v8  }
0x1f: {  	v0 =	vsel vm2, $0x41200000, v0;
	v1 =	vsel vm1, $0x18A, v1;
	v5 =	vsel vm1, $0x1B0A, v5  }
0x20: {  	v6 =	vsel vm1, $0x1C8A, v6;
	v7 =	vsel vm1, $0x288A, v7;
	v8 =	vsel vm1, $0x2A0A, v8  }
0x21: {  	v0 =	vsel vm1, $0x41300000, v0;
	v1 =	vsel vm15, $0x18B, v1;
	v2 =	vand.u32 $0xF, v2  }
0x22: {  	v5 =	vsel vm15, $0x1B0B, v5;
	v4 =	vsel vm3, $0x18C, v1;
	v1 =	vcombine.low v3, v2  }
0x23: {  	v3 =	vimm.s32 $0xD8E;
	v2 =	vsel vm4, $0x18D, v4;
	v4 =	vimm.s32 $0xF0E  }
0x24: {  	v6 =	vsel vm15, $0x1C8B, v6;
	v3 =	vsel vm13, $0xD80, v3;
	v4 =	vsel vm13, $0xF00, v4  }
0x25: {  	v7 =	vsel vm15, $0x288B, v7;
	v3 =	vsel vm12, $0xD81, v3;
	v4 =	vsel vm12, $0xF01, v4  }
0x26: {  	v8 =	vsel vm15, $0x2A0B, v8;
	v3 =	vsel vm11, $0xD82, v3;
	v4 =	vsel vm11, $0xF02, v4  }
0x27: {  	v0 =	vsel vm15, $0x41400000, v0;
	v3 =	vsel vm10, $0xD83, v3;
	v4 =	vsel vm10, $0xF03, v4  }
0x28: {  	s4 =	stileid.u32;
	s1 =	srdreg.scid;
	v5 =	vsel vm3, $0x1B0C, v5;
	v3 =	vsel vm9, $0xD84, v3;
	v4 =	vsel vm9, $0xF04, v4  }
0x29: {  	s10 =	simm.s32 $0x24000;
	s11 =	simm.s32 $0x1;
	s12 =	simm.s32 $0x4980;
	v9 =	vsel vm3, $0x1C8C, v6;
	v3 =	vsel vm8, $0xD85, v3;
	v4 =	vsel vm8, $0xF05, v4  }
0x2a: {  	s13 =	simm.s32 $0x5700;
	s14 =	simm.s32 $0x6480;
	s15 =	simm.s32 $0x7200;
	v10 =	vsel vm3, $0x288C, v7;
	v3 =	vsel vm7, $0xD86, v3;
	v4 =	vsel vm7, $0xF06, v4  }
0x2b: {  	s16 =	simm.s32 $0x4800;
	s17 =	simm.s32 $0x5580;
	s18 =	simm.s32 $0x6300;
	v11 =	vsel vm3, $0x2A0C, v8;
	v3 =	vsel vm6, $0xD87, v3;
	v4 =	vsel vm6, $0xF07, v4  }
0x2c: {  	s19 =	simm.s32 $0x7080;
	s3 =	sshll.u32 s4, $0x1;
	s1 =	sand.u32 $0x1, s1;
	v0 =	vsel vm3, $0x41500000, v0;
	v3 =	vsel vm5, $0xD88, v3;
	v4 =	vsel vm5, $0xF08, v4  }
0x2d: {  	s20 =	simm.s32 $0xC00;
	s3 =	sand.u32 $0x6, s3;
	s6 =	ssub.s32 $0x2, s1;
	v5 =	vsel vm4, $0x1B0D, v5;
	v3 =	vsel vm2, $0xD89, v3;
	v4 =	vsel vm2, $0xF09, v4  }
0x2e: {  	s21 =	simm.s32 $0x7E00;
	s1 =	sor.u32 s1, s3;
	s30 =	sshrl.u32 s6, $0x1;
	v7 =	vsel vm4, $0x1C8D, v9;
	v3 =	vsel vm1, $0xD8A, v3;
	v4 =	vsel vm1, $0xF0A, v4  }
0x2f: {  	s8 =	sshrl.u32 s4, $0x2;
	s4 =	smul.u32 $0x30, s1;
	s31 =	ssub.s32 s6, s30;
	v8 =	vsel vm4, $0x288D, v10;
	v3 =	vsel vm15, $0xD8B, v3;
	v4 =	vsel vm15, $0xF0B, v4  }
0x30: {  	s5 =	sadd.s32 $0x400, s7;
	s6 =	smul.u32 $0x48000, s8;
	s1 =	smax.u32 s31, $0x1;
	v9 =	vsel vm4, $0x2A0D, v11;
	v3 =	vsel vm3, $0xD8C, v3;
	v4 =	vsel vm3, $0xF0C, v4  }
0x31: {  	s7 =	sadd.s32 $0x24400, s7;
	s8 =	smul.u32 $0xD80000, s8;
	[dreg:$0x3] =	wrdreg s1;
	v0 =	vsel vm4, $0x41600000, v0;
	v6 =	vpop (erf);
	v3 =	vsel vm4, $0xD8D, v3;
	v4 =	vsel vm4, $0xF0D, v4  }
.LBB2_1:
0x32: {  	s22 =	simm.s32 $0x0  }
.LBB2_2:
0x33: {  	s1 =	sshll.u32 s22, $0x3  }
0x34: {  	s24 =	sadd.s32 s4, s1  }
0x35: {  	s23 =	smul.u32 $0x180, s24;
	_ =	sdelay $0x1  }
0x36: {  	s31 =	sadd.s32 s6, s23  }
0x37: {  	s1 =	sshrl.u32 s31, $0x3  }
0x38: {  	s25 =	simm.s32 $0xC00;
	s26 =	simm.s32 $0x0;
	s1 =	sadd.s32 s5, s1  }
0x39: {  	[tilespmem:s26], [sflag:$0x1] =	stream.strided.gather [hbm4b:s1+s25], $0x1800, s10, s25, $0x38;
	[tilespmem:$0xAE00] =	vst v63  }
0x3a: {  	_ =	swait.ge [sflag:s11], $0x1800  }
0x3b: {  	[sflag:s11] =	ssyncset.done $0x0  }
0x3c: {  	s28 =	simm.s32 $0x3000;
	s29 =	simm.s32 $0x0;
	[sflag:s11] =	ssyncadd.s32 $0xFFFFE800  }
.LBB2_3:
0x3d: {  	v11 =	vld [tilespmem:s25+$0xFFFFF400]  }
0x3e: {  	s1 =	sor.u32 s24, s29  }
0x3f: {  	v12 =	vld [tilespmem:s25+$0x0];
	s1 =	scvt.s32.f32 s1  }
0x40: {  	s3 =	scvt.s32.f32 s26  }
0x41: {  	v10 =	vmov s1  }
0x42: {  	v13 =	vadd.f32 s3, v0;
	v11 =	vsub.f32 v10, v11;
	_ =	sdelay $0x1  }
0x43: {  	v12 =	vsub.f32 v13, v12;
	v11 =	vmul.f32 v11, v6;
	_ =	sdelay $0x1  }
0x44: {  	v12 =	vmul.f32 v12, v6;
	v11 =	vadd.f32 $-1.000000000e+00, v11;
	_ =	sdelay $0x1  }
0x45: {  	v12 =	vadd.f32 $-1.000000000e+00, v12;
	v11 =	vadd.f32 $1.000000000e+00, v11;
	_ =	sdelay $0x1  }
0x46: {  	v12 =	vadd.f32 $1.000000000e+00, v12;
	v11 =	vmul.f32 $1.915000000e+02, v11;
	_ =	sdelay $0x1  }
0x47: {  	v12 =	vmul.f32 $1.915000000e+02, v12;
	v11 =	vmax.f32 v11, $0.0e+00  }
0x48: {  	v11 =	vmin.f32 v11, $3.830000000e+02  }
0x49: {  	v12 =	vmax.f32 v12, $0.0e+00;
	v11 =	vsub.f32 v11, v10  }
0x4a: {  	v12 =	vmin.f32 v12, $3.830000000e+02  }
0x4b: {  	v12 =	vsub.f32 v12, v13;
	v11 =	vadd.f32 $1.000000000e+00, v11;
	_ =	sdelay $0x1  }
0x4c: {  	v12 =	vadd.f32 $1.000000000e+00, v12;
	v11 =	vmax.f32 v11, $0.0e+00  }
0x4d: {  	v11 =	vmin.f32 v11, $1.000000000e+00  }
0x4e: {  	v12 =	vmax.f32 v12, $0.0e+00;
	v63 =	vsub.f32 $1.000000000e+00, v11  }
0x4f: {  	v12 =	vmin.f32 v12, $1.000000000e+00  }
0x50: {  	v14 =	vsub.f32 $1.000000000e+00, v12;
	v15 =	vmul.f32 v63, v12  }
0x51: {  	v12 =	vmul.f32 v12, v11  }
0x52: {  	v13 =	vmul.f32 v14, v63;
	[tilespmem:s28+$0xFFFFF400] =	vst v15  }
0x53: {  	v11 =	vmul.f32 v14, v11;
	[tilespmem:s28+$0xC00] =	vst v12  }
0x54: {  	[tilespmem:s28+$0xFFFFE800] =	vst v13  }
0x55: {  	s1 =	sadd.s32 $0x10, s25;
	[tilespmem:s28+$0x0] =	vst v11  }
0x56: {  	s31 =	simm.s32 $0x10;
	s30 =	smov.u32 s28;
	s3 =	simm.s32 $0x20;
	v11 =	vld [tilespmem:s1+$0xFFFFF400]  }
.LBB2_4:
0x57: {  	p0 =	sne.s32 s3, $0x170  }
0x58: {  	v12 =	vld [tilespmem:s1+$0x0]  }
0x59: {  	s9 =	scvt.s32.f32 s31;
	s31 =	smov.u32 s3;
	_ =	sdelay $0x1  }
0x5a: {  	v13 =	vadd.f32 s9, v0;
	v11 =	vsub.f32 v10, v11;
	_ =	sdelay $0x1  }
0x5b: {  	v11 =	vmul.f32 v11, v6;
	v12 =	vsub.f32 v13, v12;
	_ =	sdelay $0x1  }
0x5c: {  	v11 =	vadd.f32 $-1.000000000e+00, v11;
	v12 =	vmul.f32 v12, v6;
	_ =	sdelay $0x1  }
0x5d: {  	v11 =	vadd.f32 $1.000000000e+00, v11;
	v12 =	vadd.f32 $-1.000000000e+00, v12;
	_ =	sdelay $0x1  }
0x5e: {  	v11 =	vmul.f32 $1.915000000e+02, v11;
	v12 =	vadd.f32 $1.000000000e+00, v12;
	_ =	sdelay $0x1  }
0x5f: {  	v12 =	vmul.f32 $1.915000000e+02, v12;
	v11 =	vmax.f32 v11, $0.0e+00  }
0x60: {  	v11 =	vmin.f32 v11, $3.830000000e+02  }
0x61: {  	v12 =	vmax.f32 v12, $0.0e+00;
	v11 =	vsub.f32 v11, v10  }
0x62: {  	v12 =	vmin.f32 v12, $3.830000000e+02  }
0x63: {  	v11 =	vadd.f32 $1.000000000e+00, v11;
	v12 =	vsub.f32 v12, v13;
	_ =	sdelay $0x1  }
0x64: {  	v11 =	vmax.f32 v11, $0.0e+00;
	v12 =	vadd.f32 $1.000000000e+00, v12  }
0x65: {  	v11 =	vmin.f32 v11, $1.000000000e+00  }
0x66: {  	v12 =	vmax.f32 v12, $0.0e+00;
	v13 =	vsub.f32 $1.000000000e+00, v11  }
0x67: {  	v12 =	vmin.f32 v12, $1.000000000e+00  }
0x68: {  	v14 =	vsub.f32 $1.000000000e+00, v12;
	v15 =	vmul.f32 v13, v12;
	v12 =	vmul.f32 v12, v11  }
0x69: {  	s30 =	sadd.s32 $0x10, s30  }
.Ltmp0:
0x6a: {  	v13 =	vmul.f32 v14, v13;
	[tilespmem:s30+$0xFFFFF400] =	vst v15;
	v11 =	vmul.f32 v14, v11;
	(pc) =	sbr.rel @p0 .LBB2_4-.Ltmp0, $4  }
0x6b: {  	[tilespmem:s30+$0xC00] =	vst v12  }
0x6c: {  	[tilespmem:s30+$0xFFFFE800] =	vst v13  }
0x6d: {  	s1 =	sadd.s32 $0x10, s1;
	[tilespmem:s30+$0x0] =	vst v11  }
0x6e: {  	s3 =	sadd.s32 $0x10, s3;
	v11 =	vld [tilespmem:s1+$0xFFFFF400]  }
0x6f: {  	_ = 	snop  }
0x70: {  	v12 =	vld [tilespmem:s1+$0x0]  }
0x71: {  	s9 =	scvt.s32.f32 s31;
	_ =	sdelay $0x1  }
0x72: {  	v13 =	vadd.f32 s9, v0;
	v11 =	vsub.f32 v10, v11;
	_ =	sdelay $0x1  }
0x73: {  	v12 =	vsub.f32 v13, v12;
	v11 =	vmul.f32 v11, v6;
	_ =	sdelay $0x1  }
0x74: {  	v12 =	vmul.f32 v12, v6;
	v11 =	vadd.f32 $-1.000000000e+00, v11;
	_ =	sdelay $0x1  }
0x75: {  	v12 =	vadd.f32 $-1.000000000e+00, v12;
	v11 =	vadd.f32 $1.000000000e+00, v11;
	_ =	sdelay $0x1  }
0x76: {  	v12 =	vadd.f32 $1.000000000e+00, v12;
	v11 =	vmul.f32 $1.915000000e+02, v11;
	_ =	sdelay $0x1  }
0x77: {  	v12 =	vmul.f32 $1.915000000e+02, v12;
	v11 =	vmax.f32 v11, $0.0e+00  }
0x78: {  	v11 =	vmin.f32 v11, $3.830000000e+02  }
0x79: {  	v12 =	vmax.f32 v12, $0.0e+00;
	v10 =	vsub.f32 v11, v10  }
0x7a: {  	v11 =	vmin.f32 v12, $3.830000000e+02  }
0x7b: {  	v11 =	vsub.f32 v11, v13;
	v10 =	vadd.f32 $1.000000000e+00, v10;
	_ =	sdelay $0x1  }
0x7c: {  	v11 =	vadd.f32 $1.000000000e+00, v11;
	v10 =	vmax.f32 v10, $0.0e+00  }
0x7d: {  	v10 =	vmin.f32 v10, $1.000000000e+00  }
0x7e: {  	v11 =	vmax.f32 v11, $0.0e+00;
	v62 =	vsub.f32 $1.000000000e+00, v10  }
0x7f: {  	s29 =	sadd.s32 $0x1, s29;
	v11 =	vmin.f32 v11, $1.000000000e+00  }
0x80: {  	p0 =	sne.s32 s29, $0x8;
	v63 =	vsub.f32 $1.000000000e+00, v11;
	v14 =	vmul.f32 v62, v11  }
.Ltmp1:
0x81: {  	s31 =	sadd.s32 $0x10, s30;
	v11 =	vmul.f32 v11, v10;
	(pc) =	sbr.rel @p0 .LBB2_3-.Ltmp1, $4  }
0x82: {  	v12 =	vmul.f32 v63, v62;
	[tilespmem:s31+$0xFFFFF400] =	vst v14  }
0x83: {  	v10 =	vmul.f32 v63, v10;
	[tilespmem:s31+$0xC00] =	vst v11  }
0x84: {  	[tilespmem:s31+$0xFFFFE800] =	vst v12  }
0x85: {  	s28 =	sadd.s32 $0x180, s28;
	s25 =	sadd.s32 $0x180, s25;
	[tilespmem:s31+$0x0] =	vst v10  }
0x86: {  	s1 =	smax.u32 s24, $0x1  }
0x87: {  	s1 =	smul.u32 $0x180, s1;
	_ =	sdelay $0x1  }
0x88: {  	s25 =	simm.s32 $0x0;
	s26 =	simm.s32 $0x0;
	s24 =	sadd.s32 $0xFFFFFE80, s1  }
.LBB2_7:
0x89: {  	s1 =	smul.u32 $0x90000, s26;
	_ =	sdelay $0x1  }
0x8a: {  	s1 =	sadd.s32 s8, s1  }
0x8b: {  	s3 =	sadd.s32 s23, s1  }
0x8c: {  	s28 =	sshrl.u32 s3, $0x3  }
0x8d: {  	s3 =	sadd.s32 s0, s28  }
0x8e: {  	[tilespmem:s12], [sflag:$0x1] =	stream.linear.gather [hbm4b:s3+s25], $0xC00, $0x38;
	[tilespmem:$0xAE00] =	vst v63  }
0x8f: {  	s9 =	sadd.s32 $0x4800, s3  }
0x90: {  	[tilespmem:s13], [sflag:$0x1] =	stream.linear.gather [hbm4b:s9+s25], $0xC00, $0x38;
	[tilespmem:$0xAE00] =	vst v63  }
0x91: {  	s9 =	sadd.s32 $0x9000, s3  }
0x92: {  	[tilespmem:s14], [sflag:$0x1] =	stream.linear.gather [hbm4b:s9+s25], $0xC00, $0x38;
	[tilespmem:$0xAE00] =	vst v63  }
0x93: {  	s3 =	sadd.s32 $0xD800, s3  }
0x94: {  	[tilespmem:s15], [sflag:$0x1] =	stream.linear.gather [hbm4b:s3+s25], $0xC00, $0x38;
	[tilespmem:$0xAE00] =	vst v63  }
0x95: {  	s1 =	sadd.s32 s1, s24;
	_ =	swait.ge [sflag:s11], $0x3000  }
0x96: {  	s1 =	sshrl.u32 s1, $0x3;
	[sflag:s11] =	ssyncset.done $0x0  }
0x97: {  	s1 =	sadd.s32 s0, s1;
	[sflag:s11] =	ssyncadd.s32 $0xFFFFD000  }
0x98: {  	[tilespmem:s16], [sflag:$0x1] =	stream.linear.gather [hbm4b:s1+s25], $0x180, $0x38;
	[tilespmem:$0xAE00] =	vst v63  }
0x99: {  	s9 =	sadd.s32 $0x4800, s1  }
0x9a: {  	[tilespmem:s17], [sflag:$0x1] =	stream.linear.gather [hbm4b:s9+s25], $0x180, $0x38;
	[tilespmem:$0xAE00] =	vst v63  }
0x9b: {  	s9 =	sadd.s32 $0x9000, s1  }
0x9c: {  	[tilespmem:s18], [sflag:$0x1] =	stream.linear.gather [hbm4b:s9+s25], $0x180, $0x38;
	[tilespmem:$0xAE00] =	vst v63  }
0x9d: {  	s1 =	sadd.s32 $0xD800, s1  }
0x9e: {  	[tilespmem:s19], [sflag:$0x1] =	stream.linear.gather [hbm4b:s1+s25], $0x180, $0x38;
	[tilespmem:$0xAE00] =	vst v63  }
0x9f: {  	_ =	swait.ge [sflag:s11], $0x600  }
0xa0: {  	s29 =	simm.s32 $0x7E10;
	s30 =	simm.s32 $0x3010;
	[sflag:s11] =	ssyncset.done $0x0  }
0xa1: {  	s31 =	simm.s32 $0x4990;
	s1 =	simm.s32 $0x0;
	[sflag:s11] =	ssyncadd.s32 $0xFFFFFA00  }
.LBB2_8:
0xa2: {  	v10 =	vmov s1  }
0xa3: {  	v10 =	vmul.u32 $0x180, v10  }
0xa4: {  	s3 =	smul.u32 $0x180, s1  }
0xa5: {  	v10 =	vbroadcast v10, $0x0  }
0xa6: {  	v12 =	vld [tilespmem:s3+$0x4800]  }
0xa7: {  	s1 =	sadd.s32 $0x1, s1;
	v14 =	vld [tilespmem:s3+$0x1800];
	v11 =	vor.u32 v1, v10  }
0xa8: {  	s9 =	smul.u32 $0x600, s1;
	v15 =	vld [tilespmem:s3+$0x2400];
	v10 =	vadd.s32 v2, v10  }
0xa9: {  	v16 =	vld [tilespmem:s3+$0x3000]  }
0xaa: {  	v17 =	vld [tilespmem:s3+$0x3C00];
	s9 =	sshra.s32 s9, $0x2  }
0xab: {  	v13 =	vld [tilespmem:s9+$0x4800]  }
0xac: {  	v11 =	vld.idx.msk [tilespmem:v11+s16+$0x0], $0xffff  }
0xad: {  	v10 =	vld.idx.msk [tilespmem:v10+s16+$0x0], $0xffff;
	_ =	sdelay $0x3  }
0xae: {  	v12 =	vmul.f32 v15, v12;
	v13 =	vmul.f32 v17, v13  }
0xaf: {  	v11 =	vmul.f32 v14, v11;
	v10 =	vmul.f32 v16, v10;
	_ =	sdelay $0x1  }
0xb0: {  	v12 =	vadd.f32 v12, v11;
	v13 =	vadd.f32 v13, v10;
	v10 =	vmov s30  }
0xb1: {  	v11 =	vmov s31  }
0xb2: {  	v12 =	vadd.f32 v13, v12;
	_ =	sdelay $0x1  }
0xb3: {  	[tilespmem:s3+$0x7E00] =	vst v12;
	s3 =	simm.s32 $0x0  }
0xb4: {  	v13 =	vld.idx.msk [tilespmem:v10+s3+$0xFFFFE800 ss:$0x1], $0xffff  }
0xb5: {  	v14 =	vld.idx.msk [tilespmem:v11+s3+$0xFFFFFE7F ss:$0x1], $0xffff  }
0xb6: {  	v15 =	vld.idx.msk [tilespmem:v11+s3+$0xFFFFFE80 ss:$0x1], $0xffff  }
0xb7: {  	v16 =	vld.idx.msk [tilespmem:v10+s3+$0xFFFFF400 ss:$0x1], $0xffff  }
0xb8: {  	v17 =	vld.idx.msk [tilespmem:v11+s3+$0xFFFFFFFF ss:$0x1], $0xffff  }
0xb9: {  	v18 =	vld.idx.msk [tilespmem:v10+s3+$0x0 ss:$0x1], $0xffff  }
0xba: {  	s9 =	simm.s32 $0x40;
	v12 =	vmov s29;
	v19 =	vld.idx.msk [tilespmem:v11+s3+$0x0 ss:$0x1], $0xffff  }
.LBB2_9:
0xbb: {  	p0 =	seq.s32 s9, $0x580;
	v20 =	vld.idx.msk [tilespmem:v10+s3+$0xC00 ss:$0x1], $0xffff;
	_ =	sdelay $0x4  }
0xbc: {  	v13 =	vmul.f32 v13, v14;
	v14 =	vmul.f32 v16, v15  }
0xbd: {  	v15 =	vmul.f32 v18, v17;
	v16 =	vmul.f32 v20, v19;
	_ =	sdelay $0x1  }
0xbe: {  	v13 =	vadd.f32 v14, v13;
	v14 =	vadd.f32 v16, v15;
	_ =	sdelay $0x1  }
0xbf: {  	v13 =	vadd.f32 v14, v13;
	_ =	sdelay $0x1  }
0xc0: {  	[tilespmem:v12+s3+$0x0 ss:$0x1] =	vst.idx.msk $0xffff, v13;
	s3 =	sshra.s32 s9, $0x2  }
0xc1: {  	v13 =	vld.idx.msk [tilespmem:v10+s3+$0xFFFFE800 ss:$0x1], $0xffff  }
0xc2: {  	v14 =	vld.idx.msk [tilespmem:v11+s3+$0xFFFFFE7F ss:$0x1], $0xffff  }
.Ltmp2:
0xc3: {  	v15 =	vld.idx.msk [tilespmem:v11+s3+$0xFFFFFE80 ss:$0x1], $0xffff;
	(pc) =	sbr.rel @!p0 .LBB2_9-.Ltmp2, $4  }
0xc4: {  	v16 =	vld.idx.msk [tilespmem:v10+s3+$0xFFFFF400 ss:$0x1], $0xffff  }
0xc5: {  	v17 =	vld.idx.msk [tilespmem:v11+s3+$0xFFFFFFFF ss:$0x1], $0xffff  }
0xc6: {  	v18 =	vld.idx.msk [tilespmem:v10+s3+$0x0 ss:$0x1], $0xffff  }
0xc7: {  	s9 =	sadd.s32 $0x40, s9;
	v19 =	vld.idx.msk [tilespmem:v11+s3+$0x0 ss:$0x1], $0xffff  }
0xc8: {  	_ =	sdelay $0x3  }
0xc9: {  	v10 =	vld.idx.msk [tilespmem:v10+s3+$0xC00 ss:$0x1], $0xffff;
	_ =	sdelay $0x3  }
0xca: {  	v11 =	vmul.f32 v13, v14;
	v62 =	vmul.f32 v16, v15  }
0xcb: {  	v63 =	vmul.f32 v18, v17;
	v10 =	vmul.f32 v10, v19  }
0xcc: {  	p0 =	seq.s32 s1, $0x8  }
.Ltmp3:
0xcd: {  	v11 =	vadd.f32 v62, v11;
	v10 =	vadd.f32 v10, v63;
	(pc) =	sbr.rel @!p0 .LBB2_8-.Ltmp3, $3  }
0xce: {  	_ = 	snop  }
0xcf: {  	v10 =	vadd.f32 v10, v11;
	_ =	sdelay $0x1  }
0xd0: {  	s29 =	sadd.s32 $0x180, s29;
	s30 =	sadd.s32 $0x180, s30;
	s31 =	sadd.s32 $0x180, s31;
	[tilespmem:v12+s3+$0x0 ss:$0x1] =	vst.idx.msk $0xffff, v10  }
0xd1: {  	s29 =	simm.s32 $0x0  }
0xd2: {  	s30 =	simm.s32 $0x8A10;
	s31 =	simm.s32 $0x3010;
	s1 =	simm.s32 $0x5710  }
.LBB2_12:
0xd3: {  	v10 =	vmov s29  }
0xd4: {  	v10 =	vmul.u32 $0x180, v10  }
0xd5: {  	s3 =	smul.u32 $0x180, s29  }
0xd6: {  	v10 =	vbroadcast v10, $0x0  }
0xd7: {  	v12 =	vld [tilespmem:s3+$0x5580]  }
0xd8: {  	s29 =	sadd.s32 $0x1, s29;
	v14 =	vld [tilespmem:s3+$0x1800];
	v11 =	vadd.s32 v3, v10  }
0xd9: {  	s9 =	smul.u32 $0x600, s29;
	v15 =	vld [tilespmem:s3+$0x2400];
	v10 =	vadd.s32 v4, v10  }
0xda: {  	v16 =	vld [tilespmem:s3+$0x3000]  }
0xdb: {  	v17 =	vld [tilespmem:s3+$0x3C00];
	s9 =	sshra.s32 s9, $0x2  }
0xdc: {  	v13 =	vld [tilespmem:s9+$0x5580]  }
0xdd: {  	v11 =	vld.idx.msk [tilespmem:v11+s16+$0x0], $0xffff  }
0xde: {  	v10 =	vld.idx.msk [tilespmem:v10+s16+$0x0], $0xffff;
	_ =	sdelay $0x3  }
0xdf: {  	v12 =	vmul.f32 v15, v12;
	v13 =	vmul.f32 v17, v13  }
0xe0: {  	v11 =	vmul.f32 v14, v11;
	v10 =	vmul.f32 v16, v10;
	_ =	sdelay $0x1  }
0xe1: {  	v12 =	vadd.f32 v12, v11;
	v13 =	vadd.f32 v13, v10;
	v10 =	vmov s31  }
0xe2: {  	v11 =	vmov s1  }
0xe3: {  	v12 =	vadd.f32 v13, v12;
	_ =	sdelay $0x1  }
0xe4: {  	[tilespmem:s3+$0x8A00] =	vst v12;
	s3 =	simm.s32 $0x0  }
0xe5: {  	v13 =	vld.idx.msk [tilespmem:v10+s3+$0xFFFFE800 ss:$0x1], $0xffff  }
0xe6: {  	v14 =	vld.idx.msk [tilespmem:v11+s3+$0xFFFFFE7F ss:$0x1], $0xffff  }
0xe7: {  	v15 =	vld.idx.msk [tilespmem:v11+s3+$0xFFFFFE80 ss:$0x1], $0xffff  }
0xe8: {  	v16 =	vld.idx.msk [tilespmem:v10+s3+$0xFFFFF400 ss:$0x1], $0xffff  }
0xe9: {  	v17 =	vld.idx.msk [tilespmem:v11+s3+$0xFFFFFFFF ss:$0x1], $0xffff  }
0xea: {  	v18 =	vld.idx.msk [tilespmem:v10+s3+$0x0 ss:$0x1], $0xffff  }
0xeb: {  	s9 =	simm.s32 $0x40;
	v12 =	vmov s30;
	v19 =	vld.idx.msk [tilespmem:v11+s3+$0x0 ss:$0x1], $0xffff  }
.LBB2_13:
0xec: {  	p0 =	seq.s32 s9, $0x580;
	v20 =	vld.idx.msk [tilespmem:v10+s3+$0xC00 ss:$0x1], $0xffff;
	_ =	sdelay $0x4  }
0xed: {  	v13 =	vmul.f32 v13, v14;
	v14 =	vmul.f32 v16, v15  }
0xee: {  	v15 =	vmul.f32 v18, v17;
	v16 =	vmul.f32 v20, v19;
	_ =	sdelay $0x1  }
0xef: {  	v13 =	vadd.f32 v14, v13;
	v14 =	vadd.f32 v16, v15;
	_ =	sdelay $0x1  }
0xf0: {  	v13 =	vadd.f32 v14, v13;
	_ =	sdelay $0x1  }
0xf1: {  	[tilespmem:v12+s3+$0x0 ss:$0x1] =	vst.idx.msk $0xffff, v13;
	s3 =	sshra.s32 s9, $0x2  }
0xf2: {  	v13 =	vld.idx.msk [tilespmem:v10+s3+$0xFFFFE800 ss:$0x1], $0xffff  }
0xf3: {  	v14 =	vld.idx.msk [tilespmem:v11+s3+$0xFFFFFE7F ss:$0x1], $0xffff  }
.Ltmp4:
0xf4: {  	v15 =	vld.idx.msk [tilespmem:v11+s3+$0xFFFFFE80 ss:$0x1], $0xffff;
	(pc) =	sbr.rel @!p0 .LBB2_13-.Ltmp4, $4  }
0xf5: {  	v16 =	vld.idx.msk [tilespmem:v10+s3+$0xFFFFF400 ss:$0x1], $0xffff  }
0xf6: {  	v17 =	vld.idx.msk [tilespmem:v11+s3+$0xFFFFFFFF ss:$0x1], $0xffff  }
0xf7: {  	v18 =	vld.idx.msk [tilespmem:v10+s3+$0x0 ss:$0x1], $0xffff  }
0xf8: {  	s9 =	sadd.s32 $0x40, s9;
	v19 =	vld.idx.msk [tilespmem:v11+s3+$0x0 ss:$0x1], $0xffff  }
0xf9: {  	_ =	sdelay $0x3  }
0xfa: {  	v10 =	vld.idx.msk [tilespmem:v10+s3+$0xC00 ss:$0x1], $0xffff;
	_ =	sdelay $0x3  }
0xfb: {  	v11 =	vmul.f32 v13, v14;
	v62 =	vmul.f32 v16, v15  }
0xfc: {  	v63 =	vmul.f32 v18, v17;
	v10 =	vmul.f32 v10, v19  }
0xfd: {  	p0 =	seq.s32 s29, $0x8  }
.Ltmp5:
0xfe: {  	v11 =	vadd.f32 v62, v11;
	v10 =	vadd.f32 v10, v63;
	(pc) =	sbr.rel @!p0 .LBB2_12-.Ltmp5, $3  }
0xff: {  	_ = 	snop  }
0x100: {  	v10 =	vadd.f32 v10, v11;
	_ =	sdelay $0x1  }
0x101: {  	s30 =	sadd.s32 $0x180, s30;
	s31 =	sadd.s32 $0x180, s31;
	s1 =	sadd.s32 $0x180, s1;
	[tilespmem:v12+s3+$0x0 ss:$0x1] =	vst.idx.msk $0xffff, v10  }
0x102: {  	s29 =	simm.s32 $0x0  }
0x103: {  	s30 =	simm.s32 $0x9610;
	s31 =	simm.s32 $0x3010;
	s1 =	simm.s32 $0x6490  }
.LBB2_16:
0x104: {  	v10 =	vmov s29  }
0x105: {  	v10 =	vmul.u32 $0x180, v10  }
0x106: {  	s3 =	smul.u32 $0x180, s29  }
0x107: {  	v10 =	vbroadcast v10, $0x0  }
0x108: {  	v12 =	vld [tilespmem:s3+$0x6300]  }
0x109: {  	s29 =	sadd.s32 $0x1, s29;
	v14 =	vld [tilespmem:s3+$0x1800];
	v11 =	vadd.s32 v5, v10  }
0x10a: {  	s9 =	smul.u32 $0x600, s29;
	v15 =	vld [tilespmem:s3+$0x2400];
	v10 =	vadd.s32 v7, v10  }
0x10b: {  	v16 =	vld [tilespmem:s3+$0x3000]  }
0x10c: {  	v17 =	vld [tilespmem:s3+$0x3C00];
	s9 =	sshra.s32 s9, $0x2  }
0x10d: {  	v13 =	vld [tilespmem:s9+$0x6300]  }
0x10e: {  	v11 =	vld.idx.msk [tilespmem:v11+s16+$0x0], $0xffff  }
0x10f: {  	v10 =	vld.idx.msk [tilespmem:v10+s16+$0x0], $0xffff;
	_ =	sdelay $0x3  }
0x110: {  	v12 =	vmul.f32 v15, v12;
	v13 =	vmul.f32 v17, v13  }
0x111: {  	v11 =	vmul.f32 v14, v11;
	v10 =	vmul.f32 v16, v10;
	_ =	sdelay $0x1  }
0x112: {  	v12 =	vadd.f32 v12, v11;
	v13 =	vadd.f32 v13, v10;
	v10 =	vmov s31  }
0x113: {  	v11 =	vmov s1  }
0x114: {  	v12 =	vadd.f32 v13, v12;
	_ =	sdelay $0x1  }
0x115: {  	[tilespmem:s3+$0x9600] =	vst v12;
	s3 =	simm.s32 $0x0  }
0x116: {  	v13 =	vld.idx.msk [tilespmem:v10+s3+$0xFFFFE800 ss:$0x1], $0xffff  }
0x117: {  	v14 =	vld.idx.msk [tilespmem:v11+s3+$0xFFFFFE7F ss:$0x1], $0xffff  }
0x118: {  	v15 =	vld.idx.msk [tilespmem:v11+s3+$0xFFFFFE80 ss:$0x1], $0xffff  }
0x119: {  	v16 =	vld.idx.msk [tilespmem:v10+s3+$0xFFFFF400 ss:$0x1], $0xffff  }
0x11a: {  	v17 =	vld.idx.msk [tilespmem:v11+s3+$0xFFFFFFFF ss:$0x1], $0xffff  }
0x11b: {  	v18 =	vld.idx.msk [tilespmem:v10+s3+$0x0 ss:$0x1], $0xffff  }
0x11c: {  	s9 =	simm.s32 $0x40;
	v12 =	vmov s30;
	v19 =	vld.idx.msk [tilespmem:v11+s3+$0x0 ss:$0x1], $0xffff  }
.LBB2_17:
0x11d: {  	p0 =	seq.s32 s9, $0x580;
	v20 =	vld.idx.msk [tilespmem:v10+s3+$0xC00 ss:$0x1], $0xffff;
	_ =	sdelay $0x4  }
0x11e: {  	v13 =	vmul.f32 v13, v14;
	v14 =	vmul.f32 v16, v15  }
0x11f: {  	v15 =	vmul.f32 v18, v17;
	v16 =	vmul.f32 v20, v19;
	_ =	sdelay $0x1  }
0x120: {  	v13 =	vadd.f32 v14, v13;
	v14 =	vadd.f32 v16, v15;
	_ =	sdelay $0x1  }
0x121: {  	v13 =	vadd.f32 v14, v13;
	_ =	sdelay $0x1  }
0x122: {  	[tilespmem:v12+s3+$0x0 ss:$0x1] =	vst.idx.msk $0xffff, v13;
	s3 =	sshra.s32 s9, $0x2  }
0x123: {  	v13 =	vld.idx.msk [tilespmem:v10+s3+$0xFFFFE800 ss:$0x1], $0xffff  }
0x124: {  	v14 =	vld.idx.msk [tilespmem:v11+s3+$0xFFFFFE7F ss:$0x1], $0xffff  }
.Ltmp6:
0x125: {  	v15 =	vld.idx.msk [tilespmem:v11+s3+$0xFFFFFE80 ss:$0x1], $0xffff;
	(pc) =	sbr.rel @!p0 .LBB2_17-.Ltmp6, $4  }
0x126: {  	v16 =	vld.idx.msk [tilespmem:v10+s3+$0xFFFFF400 ss:$0x1], $0xffff  }
0x127: {  	v17 =	vld.idx.msk [tilespmem:v11+s3+$0xFFFFFFFF ss:$0x1], $0xffff  }
0x128: {  	v18 =	vld.idx.msk [tilespmem:v10+s3+$0x0 ss:$0x1], $0xffff  }
0x129: {  	s9 =	sadd.s32 $0x40, s9;
	v19 =	vld.idx.msk [tilespmem:v11+s3+$0x0 ss:$0x1], $0xffff  }
0x12a: {  	_ =	sdelay $0x3  }
0x12b: {  	v10 =	vld.idx.msk [tilespmem:v10+s3+$0xC00 ss:$0x1], $0xffff;
	_ =	sdelay $0x3  }
0x12c: {  	v11 =	vmul.f32 v13, v14;
	v62 =	vmul.f32 v16, v15  }
0x12d: {  	v63 =	vmul.f32 v18, v17;
	v10 =	vmul.f32 v10, v19  }
0x12e: {  	p0 =	seq.s32 s29, $0x8  }
.Ltmp7:
0x12f: {  	v11 =	vadd.f32 v62, v11;
	v10 =	vadd.f32 v10, v63;
	(pc) =	sbr.rel @!p0 .LBB2_16-.Ltmp7, $3  }
0x130: {  	_ = 	snop  }
0x131: {  	v10 =	vadd.f32 v10, v11;
	_ =	sdelay $0x1  }
0x132: {  	s30 =	sadd.s32 $0x180, s30;
	s31 =	sadd.s32 $0x180, s31;
	s1 =	sadd.s32 $0x180, s1;
	[tilespmem:v12+s3+$0x0 ss:$0x1] =	vst.idx.msk $0xffff, v10  }
0x133: {  	s29 =	simm.s32 $0x0  }
0x134: {  	s30 =	simm.s32 $0xA210;
	s31 =	simm.s32 $0x3C10;
	s1 =	simm.s32 $0x7210  }
.LBB2_21:
0x135: {  	v10 =	vmov s29  }
0x136: {  	v10 =	vmul.u32 $0x180, v10  }
0x137: {  	s3 =	smul.u32 $0x180, s29  }
0x138: {  	v10 =	vbroadcast v10, $0x0  }
0x139: {  	v12 =	vld [tilespmem:s3+$0x7080]  }
0x13a: {  	s29 =	sadd.s32 $0x1, s29;
	v14 =	vld [tilespmem:s3+$0x1800];
	v11 =	vadd.s32 v8, v10  }
0x13b: {  	s9 =	smul.u32 $0x600, s29;
	v15 =	vld [tilespmem:s3+$0x2400];
	v10 =	vadd.s32 v9, v10  }
0x13c: {  	v16 =	vld [tilespmem:s3+$0x3000]  }
0x13d: {  	v17 =	vld [tilespmem:s3+$0x3C00];
	s9 =	sshra.s32 s9, $0x2  }
0x13e: {  	v13 =	vld [tilespmem:s9+$0x7080]  }
0x13f: {  	v11 =	vld.idx.msk [tilespmem:v11+s16+$0x0], $0xffff  }
0x140: {  	v10 =	vld.idx.msk [tilespmem:v10+s16+$0x0], $0xffff;
	_ =	sdelay $0x3  }
0x141: {  	v12 =	vmul.f32 v15, v12;
	v13 =	vmul.f32 v17, v13  }
0x142: {  	v11 =	vmul.f32 v14, v11;
	v10 =	vmul.f32 v16, v10;
	_ =	sdelay $0x1  }
0x143: {  	v12 =	vadd.f32 v12, v11;
	v13 =	vadd.f32 v13, v10;
	v10 =	vmov s31  }
0x144: {  	v11 =	vmov s1  }
0x145: {  	v12 =	vadd.f32 v13, v12;
	_ =	sdelay $0x1  }
0x146: {  	[tilespmem:s3+$0xA200] =	vst v12;
	s3 =	simm.s32 $0x0  }
0x147: {  	v13 =	vld.idx.msk [tilespmem:v10+s3+$0xFFFFDC00 ss:$0x1], $0xffff  }
0x148: {  	v14 =	vld.idx.msk [tilespmem:v11+s3+$0xFFFFFE7F ss:$0x1], $0xffff  }
0x149: {  	v15 =	vld.idx.msk [tilespmem:v11+s3+$0xFFFFFE80 ss:$0x1], $0xffff  }
0x14a: {  	v16 =	vld.idx.msk [tilespmem:v10+s3+$0xFFFFE800 ss:$0x1], $0xffff  }
0x14b: {  	v17 =	vld.idx.msk [tilespmem:v11+s3+$0xFFFFFFFF ss:$0x1], $0xffff  }
0x14c: {  	v18 =	vld.idx.msk [tilespmem:v10+s3+$0xFFFFF400 ss:$0x1], $0xffff  }
0x14d: {  	s9 =	simm.s32 $0x40;
	v12 =	vmov s30;
	v19 =	vld.idx.msk [tilespmem:v11+s3+$0x0 ss:$0x1], $0xffff  }
.LBB2_22:
0x14e: {  	p0 =	seq.s32 s9, $0x580;
	v20 =	vld.idx.msk [tilespmem:v10+s3+$0x0 ss:$0x1], $0xffff;
	_ =	sdelay $0x4  }
0x14f: {  	v13 =	vmul.f32 v13, v14;
	v14 =	vmul.f32 v16, v15  }
0x150: {  	v15 =	vmul.f32 v18, v17;
	v16 =	vmul.f32 v20, v19;
	_ =	sdelay $0x1  }
0x151: {  	v13 =	vadd.f32 v14, v13;
	v14 =	vadd.f32 v16, v15;
	_ =	sdelay $0x1  }
0x152: {  	v13 =	vadd.f32 v14, v13;
	_ =	sdelay $0x1  }
0x153: {  	[tilespmem:v12+s3+$0x0 ss:$0x1] =	vst.idx.msk $0xffff, v13;
	s3 =	sshra.s32 s9, $0x2  }
0x154: {  	v13 =	vld.idx.msk [tilespmem:v10+s3+$0xFFFFDC00 ss:$0x1], $0xffff  }
0x155: {  	v14 =	vld.idx.msk [tilespmem:v11+s3+$0xFFFFFE7F ss:$0x1], $0xffff  }
.Ltmp8:
0x156: {  	v15 =	vld.idx.msk [tilespmem:v11+s3+$0xFFFFFE80 ss:$0x1], $0xffff;
	(pc) =	sbr.rel @!p0 .LBB2_22-.Ltmp8, $4  }
0x157: {  	v16 =	vld.idx.msk [tilespmem:v10+s3+$0xFFFFE800 ss:$0x1], $0xffff  }
0x158: {  	v17 =	vld.idx.msk [tilespmem:v11+s3+$0xFFFFFFFF ss:$0x1], $0xffff  }
0x159: {  	v18 =	vld.idx.msk [tilespmem:v10+s3+$0xFFFFF400 ss:$0x1], $0xffff  }
0x15a: {  	s9 =	sadd.s32 $0x40, s9;
	v19 =	vld.idx.msk [tilespmem:v11+s3+$0x0 ss:$0x1], $0xffff  }
0x15b: {  	_ =	sdelay $0x3  }
0x15c: {  	v10 =	vld.idx.msk [tilespmem:v10+s3+$0x0 ss:$0x1], $0xffff;
	_ =	sdelay $0x3  }
0x15d: {  	v11 =	vmul.f32 v13, v14;
	v62 =	vmul.f32 v16, v15  }
0x15e: {  	v63 =	vmul.f32 v18, v17;
	v10 =	vmul.f32 v10, v19;
	_ =	sdelay $0x1  }
0x15f: {  	v11 =	vadd.f32 v62, v11;
	v10 =	vadd.f32 v10, v63;
	_ =	sdelay $0x1  }
0x160: {  	v10 =	vadd.f32 v10, v11;
	_ =	sdelay $0x1  }
0x161: {  	[tilespmem:v12+s3+$0x0 ss:$0x1] =	vst.idx.msk $0xffff, v10  }
0x162: {  	p0 =	seq.s32 s29, $0x8  }
.Ltmp9:
0x163: {  	_ = 	snop;
	(pc) =	sbr.rel @!p0 .LBB2_21-.Ltmp9, $2  }
0x164: {  	_ =	sdelay $0x2  }
0x165: {  	s30 =	sadd.s32 $0x180, s30;
	s31 =	sadd.s32 $0x180, s31;
	s1 =	sadd.s32 $0x180, s1  }
0x166: {  	s26 =	sadd.s32 $0x1, s26  }
0x167: {  	p0 =	sne.s32 s26, $0x18  }
.Ltmp10:
0x168: {  	s1 =	sadd.s32 s7, s28;
	(pc) =	sbr.rel @p0 .LBB2_7-.Ltmp10, $4  }
0x169: {  	[hbm4b:s1+s20] =	stream.strided.scatter [tilespmem:s21], [sflag:$0x1], $0x3000, s10, s20, $0x38;
	[tilespmem:$0xAE00] =	vst v63  }
0x16a: {  	_ =	swait.ge [sflag:s11], $0x3000  }
0x16b: {  	[sflag:s11] =	ssyncset.done $0x0  }
0x16c: {  	[sflag:s11] =	ssyncadd.s32 $0xFFFFD000  }
0x16d: {  	s22 =	sadd.s32 $0x1, s22  }
0x16e: {  	p0 =	sne.s32 s22, $0x6  }
.Ltmp11:
0x16f: {  	_ = 	snop;
	(pc) =	sbr.rel @p0 .LBB2_2-.Ltmp11, $1  }
0x170: {  	_ =	sdelay $0x3  }
0x171: {  	s2 =	sadd.s32 $0x1, s2;
	s1 =	rddreg [dreg:$0x3]  }
0x172: {  	p0 =	sne.s32 s2, s1  }
.Ltmp12:
0x173: {  	_ = 	snop;
	(pc) =	sbr.rel @p0 .LBB2_1-.Ltmp12, $1  }
0x174: {  	_ =	sdelay $0x3  }
0x175: {  	_ =	sfence.sel $0x180000  }
0x176: {  	[bflag:$0x0] =	sbarrier.arrive $0xFFFF  }
0x177: {  	_ =	strace $0x90000047  }
0x178: {  	s0 =	stileid.u32;
	[bflag:$0x2] =	sbarrier.arrive $0xFFFF  }
0x179: {  	p0 =	sne.s32 s0, $0x0;
	s0 =	rddreg [dreg:$0x2]  }
0x17a: {  	s0 =	sadd.s32 @!p0 $0x100000, s0  }
0x17b: {  	[sflag:s0] =	ssyncadd.tile.s32 @!p0 $0x1;
	_ =	shalt  }
.Lfunc_end2:
_tile_overlayer_lowered:
.L_overlay_start_2:
0x17c: {  	(tag) =	ssettag $0x2  }
0x17d: {  	s0 =	rddreg [dreg:$0x0];
	s2 =	stileid.u32  }
0x17e: {  	s1 =	rddreg [dreg:$0x1];
	p0 =	sne.s32 s2, $0x0  }
0x17f: {  	s3 =	rddreg [dreg:$0x2];
	[bflag:$0x3] =	sbarrier.arrive $0xFFFF;
	s2 =	simm.s32 @!p0 $0x1C01  }
0x180: {  	[timem:s3], [sflag:s2] =	dma.local @!p0 [hbm:s0], s1  }
0x181: {  	s0 =	simm.s32 @!p0 $0x1  }
0x182: {  	_ =	swait.ge @!p0 [sflag:s0], s1  }
0x183: {  	s1 =	ssub.s32 @!p0 $0x0, s1;
	[sflag:s0] =	ssyncset.done @!p0 $0x0  }
0x184: {  	[sflag:s0] =	ssyncadd.s32 @!p0 s1  }
0x185: {  	[bflag:$0x3] =	sbarrier.arrive $0xFFFF  }
0x186: {  	_ =	shalt  }

</sc_bundles>
